<compile_context>
chip_gen: v7x
topology: tpu7x:2x2x1
jax: 0.10.2.dev20260603
libtpu: 0.0.44.dev20260713+nightly
codegen_flags: <defaults>
</compile_context>

<pallas_src>
import functools

import jax
import jax.numpy as jnp
from jax import lax
from jax.experimental import pallas as pl
from jax.experimental.pallas import tpu as pltpu
from jax.experimental.pallas import tpu_sc as plsc

N = 10000
E = 320000
D = 128
NG = 64
NCLS = 10

NC, NS = 2, 16
NW = NC * NS
NP = 10112
RPT = NP // NS

BLK = 400
GRID = N // BLK


def _seg_body(with_cnt, nring, sdepth, chunk, nsteps, off_fn, ntail,
              feat, src1d, dst1d, zrows, out, *rest):
    if with_cnt:
        cnt32 = rest[0]
        rest = rest[1:]
    acc = rest[0]
    bufs = rest[1:]
    if with_cnt:
        cntloc = bufs[0]
        bufs = bufs[1:]
    srcv = bufs[0:nring]
    dstv = bufs[nring:2 * nring]
    rows = bufs[2 * nring:3 * nring]
    gsem = bufs[3 * nring:4 * nring]
    ssem = bufs[4 * nring:5 * nring]
    isem = bufs[5 * nring:6 * nring]

    cid = lax.axis_index("c")
    sid = lax.axis_index("s")
    wid = cid * NS + sid

    pltpu.sync_copy(zrows, acc.at[pl.ds(sid * RPT, RPT)])

    if with_cnt:
        zeros16 = jnp.zeros((16,), jnp.float32)

        def zcnt(i, _):
            cntloc[pl.ds(i * 16, 16)] = zeros16
            return 0
        lax.fori_loop(0, N // 16, zcnt, 0)
        ones16 = jnp.ones((16,), jnp.float32)

    plsc.subcore_barrier()

    def fire_idx(c, b):
        off = off_fn(wid, c)
        pltpu.async_copy(src1d.at[pl.ds(off, chunk)], srcv[b], isem[b])
        pltpu.async_copy(dst1d.at[pl.ds(off, chunk)], dstv[b], isem[b])

    def wait_idx(c, b):
        off = off_fn(wid, c)
        pltpu.make_async_copy(src1d.at[pl.ds(off, chunk)],
                              srcv[b], isem[b]).wait()
        pltpu.make_async_copy(dst1d.at[pl.ds(off, chunk)],
                              dstv[b], isem[b]).wait()

    def wait_scatter(b):
        pltpu.make_async_copy(rows[b], acc.at[dstv[b]], ssem[b]).wait()

    off0 = off_fn(wid, 0)
    pltpu.sync_copy(src1d.at[pl.ds(off0, chunk)], srcv[0])
    pltpu.sync_copy(dst1d.at[pl.ds(off0, chunk)], dstv[0])
    pltpu.async_copy(feat.at[srcv[0]], rows[0], gsem[0])
    fire_idx(1, 1)

    def ring_step(cc, _):
        for k in range(nring):
            c = cc * nring + k

            @pl.when((c >= sdepth) & (c < nsteps + sdepth))
            def _():
                wait_scatter((k + nring - sdepth) % nring)

            @pl.when(c < nsteps)
            def _():
                @pl.when(c + 1 < nsteps)
                def _():
                    wait_idx(c + 1, (k + 1) % nring)
                    pltpu.async_copy(feat.at[srcv[(k + 1) % nring]],
                                     rows[(k + 1) % nring],
                                     gsem[(k + 1) % nring])

                @pl.when(c + 2 < nsteps)
                def _():
                    fire_idx(c + 2, (k + 2) % nring)
                pltpu.make_async_copy(
                    feat.at[srcv[k]], rows[k], gsem[k]).wait()
                pltpu.async_copy(rows[k], acc.at[dstv[k]], ssem[k],
                                 add=True)
                if with_cnt:
                    for g in range(chunk // 16):
                        idx = dstv[k][pl.ds(g * 16, 16)]
                        plsc.addupdate_scatter(cntloc, [idx], ones16)
        return 0
    lax.fori_loop(0, (nsteps + sdepth + nring - 1) // nring, ring_step, 0)

    if ntail:
        @pl.when(wid < ntail)
        def _():
            off = (nsteps * NW + wid) * chunk
            pltpu.sync_copy(src1d.at[pl.ds(off, chunk)], srcv[0])
            pltpu.sync_copy(dst1d.at[pl.ds(off, chunk)], dstv[0])
            pltpu.async_copy(feat.at[srcv[0]], rows[0], gsem[0]).wait()
            pltpu.sync_copy(rows[0], acc.at[dstv[0]], add=True)
            if with_cnt:
                for g in range(chunk // 16):
                    idx = dstv[0][pl.ds(g * 16, 16)]
                    plsc.addupdate_scatter(cntloc, [idx], ones16)

    plsc.subcore_barrier()

    row0 = sid * RPT
    pltpu.sync_copy(acc.at[pl.ds(row0, RPT)],
                    out.at[pl.ds(cid * NP + row0, RPT)])
    if with_cnt:
        pltpu.sync_copy(cntloc, cnt32.at[wid])


def _make_segsum(with_cnt):
    if with_cnt:
        nring, sdepth, chunk = 4, 2, 64
        nsteps = E // (chunk * NW)
        ntail = E // chunk - nsteps * NW

        def off_fn(wid, c):
            return (wid + c * NW) * chunk
    else:
        nring, sdepth, chunk = 4, 2, 80
        ept = E // NW
        nsteps = ept // chunk
        ntail = 0

        def off_fn(wid, c):
            return wid * ept + c * chunk

    mesh = plsc.VectorSubcoreMesh(core_axis_name="c", subcore_axis_name="s")
    out_type = [jax.ShapeDtypeStruct((NC * NP, D), jnp.float32)]
    scratch = [pltpu.VMEM_SHARED((NP, D), jnp.float32)]
    if with_cnt:
        out_type.append(jax.ShapeDtypeStruct((NW, N), jnp.float32))
        scratch.append(pltpu.VMEM((N,), jnp.float32))
    scratch += (
        [pltpu.VMEM((chunk,), jnp.int32)] * nring
        + [pltpu.VMEM((chunk,), jnp.int32)] * nring
        + [pltpu.VMEM((chunk, D), jnp.float32)] * nring
        + [pltpu.SemaphoreType.DMA] * (3 * nring)
    )
    params = None
    if with_cnt:
        params = pltpu.CompilerParams(use_tc_tiling_on_sc=False,
                                      needs_layout_passes=False)
    return pl.kernel(
        functools.partial(_seg_body, with_cnt, nring, sdepth, chunk,
                          nsteps, off_fn, ntail),
        out_type=tuple(out_type),
        mesh=mesh,
        compiler_params=params,
        scratch_types=scratch,
    )


_segsum_cnt = _make_segsum(True)
_segsum = _make_segsum(False)


def _dense_body(parts, cnt32, x, wl, wr, b, out):
    cnt = jnp.sum(cnt32[:, 0, 0, :], axis=0)[:, None]
    agg = (parts[0] + parts[1]) / jnp.maximum(cnt, 1.0)
    h = agg @ wl[...] + x[...] @ wr[...] + b[...]
    out[...] = jnp.maximum(h, 0.0)


def _final_body(parts, cnt32, h1, batch, wl, wr, b, wfc, bfc, out,
                gacc, cacc):
    i = pl.program_id(0)

    @pl.when(i == 0)
    def _():
        gacc[...] = jnp.zeros_like(gacc)
        cacc[...] = jnp.zeros_like(cacc)

    cnt = jnp.sum(cnt32[:, 0, 0, :], axis=0)[:, None]
    agg = (parts[0] + parts[1]) / jnp.maximum(cnt, 1.0)
    h2 = jnp.maximum(agg @ wl[...] + h1[...] @ wr[...] + b[...], 0.0)

    bt = batch[0, 0, :]
    P = (lax.broadcasted_iota(jnp.int32, (NG, BLK), 0)
         == bt[None, :]).astype(jnp.float32)
    gacc[...] += P @ h2
    cacc[...] += P @ jnp.ones((BLK, D), jnp.float32)

    @pl.when(i == GRID - 1)
    def _():
        g = gacc[...] / jnp.maximum(cacc[...], 1.0)
        out[...] = g @ wfc[...] + bfc[...]


def _dense(parts, cnt32, x, wl, wr, b):
    return pl.pallas_call(
        _dense_body,
        grid=(GRID,),
        in_specs=[
            pl.BlockSpec((NC, BLK, D), lambda i: (0, i, 0)),
            pl.BlockSpec((NW, 1, 1, BLK), lambda i: (0, i, 0, 0)),
            pl.BlockSpec((BLK, D), lambda i: (i, 0)),
            pl.BlockSpec((D, D), lambda i: (0, 0)),
            pl.BlockSpec((D, D), lambda i: (0, 0)),
            pl.BlockSpec((1, D), lambda i: (0, 0)),
        ],
        out_specs=pl.BlockSpec((BLK, D), lambda i: (i, 0)),
        out_shape=jax.ShapeDtypeStruct((N, D), jnp.float32),
    )(parts, cnt32, x, wl, wr, b)


def _final(parts, cnt32, h1, batch3, wl, wr, b, wfc, bfc):
    return pl.pallas_call(
        _final_body,
        grid=(GRID,),
        in_specs=[
            pl.BlockSpec((NC, BLK, D), lambda i: (0, i, 0)),
            pl.BlockSpec((NW, 1, 1, BLK), lambda i: (0, i, 0, 0)),
            pl.BlockSpec((BLK, D), lambda i: (i, 0)),
            pl.BlockSpec((1, 1, BLK), lambda i: (i, 0, 0)),
            pl.BlockSpec((D, D), lambda i: (0, 0)),
            pl.BlockSpec((D, D), lambda i: (0, 0)),
            pl.BlockSpec((1, D), lambda i: (0, 0)),
            pl.BlockSpec((D, NCLS), lambda i: (0, 0)),
            pl.BlockSpec((1, NCLS), lambda i: (0, 0)),
        ],
        out_specs=pl.BlockSpec((NG, NCLS), lambda i: (0, 0)),
        out_shape=jax.ShapeDtypeStruct((NG, NCLS), jnp.float32),
        scratch_shapes=[
            pltpu.VMEM((NG, D), jnp.float32),
            pltpu.VMEM((NG, D), jnp.float32),
        ],
    )(parts, cnt32, h1, batch3, wl, wr, b, wfc, bfc)


def kernel(x, edge_index, batch, W1l, W1r, b1, W2l, W2r, b2, Wfc, bfc):
    src = edge_index[0].astype(jnp.int32)
    dst = edge_index[1].astype(jnp.int32)
    bt3 = batch.astype(jnp.int32).reshape(GRID, 1, BLK)

    zrows = jnp.zeros((RPT, D), jnp.float32)
    parts1, cnt32 = _segsum_cnt(x, src, dst, zrows)
    cnt32 = cnt32.reshape(NW, GRID, 1, BLK)
    parts1 = parts1.reshape(NC, NP, D)
    h1 = _dense(parts1, cnt32, x, W1l, W1r, b1.reshape(1, D))
    (parts2,) = _segsum(h1, src, dst, zrows)
    parts2 = parts2.reshape(NC, NP, D)
    out = _final(parts2, cnt32, h1, bt3, W2l, W2r, b2.reshape(1, D),
                 Wfc, bfc.reshape(1, NCLS))
    return out

# --- scband reference (transcript-rebuilt; emitter-appended) ---
"""Pipeline reference for scband-graph-sageclassifier-39049842655824 (READ-ONLY COPY).

The authoritative reference and input builder live on the scoring server;
editing this copy changes nothing except your own understanding.
"""

import jax, jax.numpy as jnp
import numpy as np

N = 10000
E = 320000
IN_DIM = 128
HID = 128
NUM_CLASSES = 10
NUM_GRAPHS = 64


def setup_inputs(seed: int = 0) -> dict:
    key = jax.random.key(seed)
    ks = jax.random.split(key, 12)
    x = jax.random.normal(ks[0], (N, IN_DIM), dtype=jnp.float32)
    edge_index = jax.random.randint(ks[1], (2, E), 0, N, dtype=jnp.int64)
    batch = jnp.sort(jax.random.randint(ks[2], (N,), 0, NUM_GRAPHS, dtype=jnp.int64))
    s1 = 1.0 / np.sqrt(IN_DIM)
    s2 = 1.0 / np.sqrt(HID)
    W1l = jax.random.uniform(ks[3], (IN_DIM, HID), jnp.float32, -s1, s1)
    W1r = jax.random.uniform(ks[4], (IN_DIM, HID), jnp.float32, -s1, s1)
    b1 = jax.random.uniform(ks[5], (HID,), jnp.float32, -s1, s1)
    W2l = jax.random.uniform(ks[6], (HID, HID), jnp.float32, -s2, s2)
    W2r = jax.random.uniform(ks[7], (HID, HID), jnp.float32, -s2, s2)
    b2 = jax.random.uniform(ks[8], (HID,), jnp.float32, -s2, s2)
    Wfc = jax.random.uniform(ks[9], (HID, NUM_CLASSES), jnp.float32, -s2, s2)
    bfc = jax.random.uniform(ks[10], (NUM_CLASSES,), jnp.float32, -s2, s2)
    return {"x": x, "edge_index": edge_index, "batch": batch,
            "W1l": W1l, "W1r": W1r, "b1": b1,
            "W2l": W2l, "W2r": W2r, "b2": b2,
            "Wfc": Wfc, "bfc": bfc}


def _sage_conv(x, edge_index, Wl, Wr, b):
    # PyG SAGEConv (mean aggr): out = lin_l(mean_{j->i} x_j) + lin_r(x_i)
    src = edge_index[0]
    dst = edge_index[1]
    msgs = jnp.take(x, src, axis=0)
    agg_sum = jax.ops.segment_sum(msgs, dst, num_segments=x.shape[0])
    cnt = jax.ops.segment_sum(jnp.ones((edge_index.shape[1],), jnp.float32), dst, num_segments=x.shape[0])
    agg_mean = agg_sum / jnp.maximum(cnt, 1.0)[:, None]
    return agg_mean @ Wl + x @ Wr + b


def _global_mean_pool(x, batch, num_graphs):
    s = jax.ops.segment_sum(x, batch, num_segments=num_graphs)
    c = jax.ops.segment_sum(jnp.ones((x.shape[0],), jnp.float32), batch, num_segments=num_graphs)
    return s / jnp.maximum(c, 1.0)[:, None]


def reference(x, edge_index, batch, W1l, W1r, b1, W2l, W2r, b2, Wfc, bfc):
    h = jax.nn.relu(_sage_conv(x, edge_index, W1l, W1r, b1))
    # dropout is identity in eval mode
    h = jax.nn.relu(_sage_conv(h, edge_index, W2l, W2r, b2))
    g = _global_mean_pool(h, batch, NUM_GRAPHS)
    return g @ Wfc + bfc

if __name__ == "__main__":
    import jax
    _d = setup_inputs()
    print(jax.jit(kernel)(*tuple(_d.values())))

</pallas_src>

<mosaic_0001>
#map = affine_map<(d0, d1) -> (0, 0)>
#map1 = affine_map<(d0, d1) -> (0)>
module attributes {stable_mosaic.version = 14 : i64} {
  func.func @_seg_body(%arg0: i32, %arg1: i32, %arg2: memref<10000x128xf32, #tpu.memory_space<hbm>>, %arg3: memref<320000xi32, #tpu.memory_space<hbm>>, %arg4: memref<320000xi32, #tpu.memory_space<hbm>>, %arg5: memref<632x128xf32, #tpu.memory_space<hbm>>, %arg6: memref<20224x128xf32, #tpu.memory_space<hbm>>, %arg7: memref<32x10000xf32, #tpu.memory_space<hbm>>, %arg8: memref<10112x128xf32, #tpu.memory_space<vmem_shared>>, %arg9: memref<10000xf32, #tpu.memory_space<vmem>>, %arg10: memref<64xi32, #tpu.memory_space<vmem>>, %arg11: memref<64xi32, #tpu.memory_space<vmem>>, %arg12: memref<64xi32, #tpu.memory_space<vmem>>, %arg13: memref<64xi32, #tpu.memory_space<vmem>>, %arg14: memref<64xi32, #tpu.memory_space<vmem>>, %arg15: memref<64xi32, #tpu.memory_space<vmem>>, %arg16: memref<64xi32, #tpu.memory_space<vmem>>, %arg17: memref<64xi32, #tpu.memory_space<vmem>>, %arg18: memref<64x128xf32, #tpu.memory_space<vmem>>, %arg19: memref<64x128xf32, #tpu.memory_space<vmem>>, %arg20: memref<64x128xf32, #tpu.memory_space<vmem>>, %arg21: memref<64x128xf32, #tpu.memory_space<vmem>>, %arg22: memref<!tpu.dma_semaphore, #tpu.memory_space<semaphore_mem>>, %arg23: memref<!tpu.dma_semaphore, #tpu.memory_space<semaphore_mem>>, %arg24: memref<!tpu.dma_semaphore, #tpu.memory_space<semaphore_mem>>, %arg25: memref<!tpu.dma_semaphore, #tpu.memory_space<semaphore_mem>>, %arg26: memref<!tpu.dma_semaphore, #tpu.memory_space<semaphore_mem>>, %arg27: memref<!tpu.dma_semaphore, #tpu.memory_space<semaphore_mem>>, %arg28: memref<!tpu.dma_semaphore, #tpu.memory_space<semaphore_mem>>, %arg29: memref<!tpu.dma_semaphore, #tpu.memory_space<semaphore_mem>>, %arg30: memref<!tpu.dma_semaphore, #tpu.memory_space<semaphore_mem>>, %arg31: memref<!tpu.dma_semaphore, #tpu.memory_space<semaphore_mem>>, %arg32: memref<!tpu.dma_semaphore, #tpu.memory_space<semaphore_mem>>, %arg33: memref<!tpu.dma_semaphore, #tpu.memory_space<semaphore_mem>>) attributes {dimension_semantics = [#tpu.dimension_semantics<core_parallel>, #tpu.dimension_semantics<subcore_parallel>], iteration_bounds = array<i64: 2, 16>, scalar_prefetch = 0 : i64, scratch_operands = 26 : i64, tpu.core_type = #tpu.core_type<sc_vector_subcore>, window_params = [{transform_indices = #map}, {transform_indices = #map1}, {transform_indices = #map1}, {transform_indices = #map}, {transform_indices = #map}, {transform_indices = #map}]} {
    %mul3A = arith.constant 16 : i32
    %mul3A_0 = arith.muli %arg0, %mul3A : i32
    %add3A = arith.addi %mul3A_0, %arg1 : i32
    %mul3A_1 = arith.constant 632 : i32
    %mul3A_2 = arith.muli %arg1, %mul3A_1 : i32
    "tpu.region"() ({
      %run_scoped3A = tpu.sem_alloc : memref<!tpu.dma_semaphore, #tpu.memory_space<semaphore_mem>>
      %dma_start3A_41 = arith.constant 0 : i32
      %dma_start3A_42 = tpu.memref_slice %arg8[%mul3A_2, %dma_start3A_41] : memref<10112x128xf32, #tpu.memory_space<vmem_shared>> -> memref<632x128xf32, #tpu.memory_space<vmem_shared>>
      tpu.enqueue_dma source(%arg5 : memref<632x128xf32, #tpu.memory_space<hbm>>) target(%dma_start3A_42 : memref<632x128xf32, #tpu.memory_space<vmem_shared>>) target_semaphore(%run_scoped3A : memref<!tpu.dma_semaphore, #tpu.memory_space<semaphore_mem>>)
      %dma_wait3A = arith.constant 0 : i32
      %dma_wait3A_43 = tpu.memref_slice %arg8[%mul3A_2, %dma_wait3A] : memref<10112x128xf32, #tpu.memory_space<vmem_shared>> -> memref<632x128xf32, #tpu.memory_space<vmem_shared>>
      tpu.wait_dma2 semaphore(%run_scoped3A : memref<!tpu.dma_semaphore, #tpu.memory_space<semaphore_mem>>) src(%arg5 : memref<632x128xf32, #tpu.memory_space<hbm>>) dst(%dma_wait3A_43 : memref<632x128xf32, #tpu.memory_space<vmem_shared>>)
      tpu.yield
    }) : () -> ()
    %broadcast_in_dim3A = arith.constant 0.000000e+00 : f32
    %broadcast_in_dim3A_3 = vector.broadcast %broadcast_in_dim3A : f32 to vector<16xf32>
    %scan3A = arith.constant 0 : i32
    %scan3A_4 = arith.constant 0 : i32
    %scan3A_5 = arith.constant 625 : i32
    %scan3A_6 = arith.addi %scan3A_4, %scan3A_5 : i32
    %scan3A_7 = arith.constant 1 : i32
    %scan3A_8 = scf.for %scan3A_41 = %scan3A_4 to %scan3A_6 step %scan3A_7 iter_args(%scan3A_42 = %scan3A) -> (i32)  : i32 {
      %mul3A_43 = arith.constant 16 : i32
      %mul3A_44 = arith.muli %scan3A_41, %mul3A_43 : i32
      %swap3A = arith.index_cast %mul3A_44 : i32 to index
      %swap3A_45 = tpu.vector_load %arg9[%swap3A] {strides = array<i32>} : memref<10000xf32, #tpu.memory_space<vmem>>, vector<16xf32>,
      tpu.vector_store %arg9[%swap3A], %broadcast_in_dim3A_3 {strides = array<i32>} : memref<10000xf32, #tpu.memory_space<vmem>>, vector<16xf32>,
      %scan3A_46 = arith.constant 0 : i32
      scf.yield %scan3A_46 : i32
    }
    %scan3A_9 = arith.constant 625 : i32
    %broadcast_in_dim3A_10 = arith.constant 1.000000e+00 : f32
    %broadcast_in_dim3A_11 = vector.broadcast %broadcast_in_dim3A_10 : f32 to vector<16xf32>
    %barrier3A = arith.constant 0 : index
    tpu.barrier barrier_id(%barrier3A)
    %add3A_12 = arith.constant 0 : i32
    %add3A_13 = arith.addi %add3A, %add3A_12 : i32
    %mul3A_14 = arith.constant 64 : i32
    %mul3A_15 = arith.muli %add3A_13, %mul3A_14 : i32
    "tpu.region"() ({
      %run_scoped3A = tpu.sem_alloc : memref<!tpu.dma_semaphore, #tpu.memory_space<semaphore_mem>>
      %dma_start3A_41 = tpu.memref_slice %arg3[%mul3A_15] : memref<320000xi32, #tpu.memory_space<hbm>> -> memref<64xi32, #tpu.memory_space<hbm>>
      %dma_start3A_42 = tpu.memref_slice %arg3[%mul3A_15] : memref<320000xi32, #tpu.memory_space<hbm>> -> memref<64xi32, #tpu.memory_space<hbm>>
      tpu.enqueue_dma source(%dma_start3A_42 : memref<64xi32, #tpu.memory_space<hbm>>) target(%arg10 : memref<64xi32, #tpu.memory_space<vmem>>) target_semaphore(%run_scoped3A : memref<!tpu.dma_semaphore, #tpu.memory_space<semaphore_mem>>)
      %dma_wait3A = tpu.memref_slice %arg3[%mul3A_15] : memref<320000xi32, #tpu.memory_space<hbm>> -> memref<64xi32, #tpu.memory_space<hbm>>
      %dma_wait3A_43 = tpu.memref_slice %arg3[%mul3A_15] : memref<320000xi32, #tpu.memory_space<hbm>> -> memref<64xi32, #tpu.memory_space<hbm>>
      tpu.wait_dma2 semaphore(%run_scoped3A : memref<!tpu.dma_semaphore, #tpu.memory_space<semaphore_mem>>) src(%dma_wait3A_43 : memref<64xi32, #tpu.memory_space<hbm>>) dst(%arg10 : memref<64xi32, #tpu.memory_space<vmem>>)
      tpu.yield
    }) : () -> ()
    "tpu.region"() ({
      %run_scoped3A = tpu.sem_alloc : memref<!tpu.dma_semaphore, #tpu.memory_space<semaphore_mem>>
      %dma_start3A_41 = tpu.memref_slice %arg4[%mul3A_15] : memref<320000xi32, #tpu.memory_space<hbm>> -> memref<64xi32, #tpu.memory_space<hbm>>
      %dma_start3A_42 = tpu.memref_slice %arg4[%mul3A_15] : memref<320000xi32, #tpu.memory_space<hbm>> -> memref<64xi32, #tpu.memory_space<hbm>>
      tpu.enqueue_dma source(%dma_start3A_42 : memref<64xi32, #tpu.memory_space<hbm>>) target(%arg14 : memref<64xi32, #tpu.memory_space<vmem>>) target_semaphore(%run_scoped3A : memref<!tpu.dma_semaphore, #tpu.memory_space<semaphore_mem>>)
      %dma_wait3A = tpu.memref_slice %arg4[%mul3A_15] : memref<320000xi32, #tpu.memory_space<hbm>> -> memref<64xi32, #tpu.memory_space<hbm>>
      %dma_wait3A_43 = tpu.memref_slice %arg4[%mul3A_15] : memref<320000xi32, #tpu.memory_space<hbm>> -> memref<64xi32, #tpu.memory_space<hbm>>
      tpu.wait_dma2 semaphore(%run_scoped3A : memref<!tpu.dma_semaphore, #tpu.memory_space<semaphore_mem>>) src(%dma_wait3A_43 : memref<64xi32, #tpu.memory_space<hbm>>) dst(%arg14 : memref<64xi32, #tpu.memory_space<vmem>>)
      tpu.yield
    }) : () -> ()
    %dma_start3A = arith.constant 0 : i32
    %dma_start3A_16 = arith.constant 0 : i32
    %dma_start3A_17 = tpu.memref_slice %arg2[%dma_start3A, %dma_start3A_16] : memref<10000x128xf32, #tpu.memory_space<hbm>> -> memref<10000x128xf32, #tpu.memory_space<hbm>>
    tpu.enqueue_indirect_dma source(%dma_start3A_17 : memref<10000x128xf32, #tpu.memory_space<hbm>>) target(%arg18 : memref<64x128xf32, #tpu.memory_space<vmem>>) offsets(%arg10 : memref<64xi32, #tpu.memory_space<vmem>>) semaphore(%arg22 : memref<!tpu.dma_semaphore, #tpu.memory_space<semaphore_mem>>)
    %add3A_18 = arith.constant 32 : i32
    %add3A_19 = arith.addi %add3A, %add3A_18 : i32
    %mul3A_20 = arith.constant 64 : i32
    %mul3A_21 = arith.muli %add3A_19, %mul3A_20 : i32
    %dma_start3A_22 = tpu.memref_slice %arg3[%mul3A_21] : memref<320000xi32, #tpu.memory_space<hbm>> -> memref<64xi32, #tpu.memory_space<hbm>>
    %dma_start3A_23 = tpu.memref_slice %arg3[%mul3A_21] : memref<320000xi32, #tpu.memory_space<hbm>> -> memref<64xi32, #tpu.memory_space<hbm>>
    tpu.enqueue_dma source(%dma_start3A_23 : memref<64xi32, #tpu.memory_space<hbm>>) target(%arg11 : memref<64xi32, #tpu.memory_space<vmem>>) target_semaphore(%arg31 : memref<!tpu.dma_semaphore, #tpu.memory_space<semaphore_mem>>)
    %dma_start3A_24 = tpu.memref_slice %arg4[%mul3A_21] : memref<320000xi32, #tpu.memory_space<hbm>> -> memref<64xi32, #tpu.memory_space<hbm>>
    %dma_start3A_25 = tpu.memref_slice %arg4[%mul3A_21] : memref<320000xi32, #tpu.memory_space<hbm>> -> memref<64xi32, #tpu.memory_space<hbm>>
    tpu.enqueue_dma source(%dma_start3A_25 : memref<64xi32, #tpu.memory_space<hbm>>) target(%arg15 : memref<64xi32, #tpu.memory_space<vmem>>) target_semaphore(%arg31 : memref<!tpu.dma_semaphore, #tpu.memory_space<semaphore_mem>>)
    %scan3A_26 = arith.constant 0 : i32
    %scan3A_27 = arith.constant 0 : i32
    %scan3A_28 = arith.constant 40 : i32
    %scan3A_29 = arith.addi %scan3A_27, %scan3A_28 : i32
    %scan3A_30 = arith.constant 1 : i32
    %scan3A_31 = scf.for %scan3A_41 = %scan3A_27 to %scan3A_29 step %scan3A_30 iter_args(%scan3A_42 = %scan3A_26) -> (i32)  : i32 {
      %mul3A_43 = arith.constant 4 : i32
      %mul3A_44 = arith.muli %scan3A_41, %mul3A_43 : i32
      %add3A_45 = arith.constant 0 : i32
      %add3A_46 = arith.addi %mul3A_44, %add3A_45 : i32
      %ge3A = arith.constant 2 : i32
      %ge3A_47 = arith.cmpi sge, %add3A_46, %ge3A : i32
      %lt3A_48 = arith.constant 158 : i32
      %lt3A_49 = arith.cmpi slt, %add3A_46, %lt3A_48 : i32
      %and3A = arith.andi %ge3A_47, %lt3A_49 : i1
      %convert_element_type3A_50 = arith.extui %and3A : i1 to i32
      %cond3A_51 = arith.constant 0 : i32
      %cond3A_52 = arith.cmpi ne, %convert_element_type3A_50, %cond3A_51 : i32
      scf.if %cond3A_52 {
        %dma_wait3A = arith.constant 0 : i32
        %dma_wait3A_110 = arith.constant 0 : i32
        %dma_wait3A_111 = tpu.memref_slice %arg8[%dma_wait3A, %dma_wait3A_110] : memref<10112x128xf32, #tpu.memory_space<vmem_shared>> -> memref<10112x128xf32, #tpu.memory_space<vmem_shared>>
        tpu.wait_indirect_dma semaphore(%arg28 : memref<!tpu.dma_semaphore, #tpu.memory_space<semaphore_mem>>) src(%arg20 : memref<64x128xf32, #tpu.memory_space<vmem>>) dst(%dma_wait3A_111 : memref<10112x128xf32, #tpu.memory_space<vmem_shared>>)
      } else {
      }
      %lt3A_53 = arith.constant 156 : i32
      %lt3A_54 = arith.cmpi slt, %add3A_46, %lt3A_53 : i32
      %convert_element_type3A_55 = arith.extui %lt3A_54 : i1 to i32
      %cond3A_56 = arith.constant 0 : i32
      %cond3A_57 = arith.cmpi ne, %convert_element_type3A_55, %cond3A_56 : i32
      scf.if %cond3A_57 {
        %add3A_110 = arith.constant 1 : i32
        %add3A_111 = arith.addi %add3A_46, %add3A_110 : i32
        %lt3A_112 = arith.constant 156 : i32
        %lt3A_113 = arith.cmpi slt, %add3A_111, %lt3A_112 : i32
        %convert_element_type3A_114 = arith.extui %lt3A_113 : i1 to i32
        %cond3A_115 = arith.constant 0 : i32
        %cond3A_116 = arith.cmpi ne, %convert_element_type3A_114, %cond3A_115 : i32
        scf.if %cond3A_116 {
          %add3A_136 = arith.constant 1 : i32
          %add3A_137 = arith.addi %add3A_46, %add3A_136 : i32
          %mul3A_138 = arith.constant 32 : i32
          %mul3A_139 = arith.muli %add3A_137, %mul3A_138 : i32
          %add3A_140 = arith.addi %add3A, %mul3A_139 : i32
          %mul3A_141 = arith.constant 64 : i32
          %mul3A_142 = arith.muli %add3A_140, %mul3A_141 : i32
          %dma_wait3A_143 = tpu.memref_slice %arg3[%mul3A_142] : memref<320000xi32, #tpu.memory_space<hbm>> -> memref<64xi32, #tpu.memory_space<hbm>>
          %dma_wait3A_144 = tpu.memref_slice %arg3[%mul3A_142] : memref<320000xi32, #tpu.memory_space<hbm>> -> memref<64xi32, #tpu.memory_space<hbm>>
          tpu.wait_dma2 semaphore(%arg31 : memref<!tpu.dma_semaphore, #tpu.memory_space<semaphore_mem>>) src(%dma_wait3A_144 : memref<64xi32, #tpu.memory_space<hbm>>) dst(%arg11 : memref<64xi32, #tpu.memory_space<vmem>>)
          %dma_wait3A_145 = tpu.memref_slice %arg4[%mul3A_142] : memref<320000xi32, #tpu.memory_space<hbm>> -> memref<64xi32, #tpu.memory_space<hbm>>
          %dma_wait3A_146 = tpu.memref_slice %arg4[%mul3A_142] : memref<320000xi32, #tpu.memory_space<hbm>> -> memref<64xi32, #tpu.memory_space<hbm>>
          tpu.wait_dma2 semaphore(%arg31 : memref<!tpu.dma_semaphore, #tpu.memory_space<semaphore_mem>>) src(%dma_wait3A_146 : memref<64xi32, #tpu.memory_space<hbm>>) dst(%arg15 : memref<64xi32, #tpu.memory_space<vmem>>)
          %dma_start3A_147 = arith.constant 0 : i32
          %dma_start3A_148 = arith.constant 0 : i32
          %dma_start3A_149 = tpu.memref_slice %arg2[%dma_start3A_147, %dma_start3A_148] : memref<10000x128xf32, #tpu.memory_space<hbm>> -> memref<10000x128xf32, #tpu.memory_space<hbm>>
          tpu.enqueue_indirect_dma source(%dma_start3A_149 : memref<10000x128xf32, #tpu.memory_space<hbm>>) target(%arg19 : memref<64x128xf32, #tpu.memory_space<vmem>>) offsets(%arg11 : memref<64xi32, #tpu.memory_space<vmem>>) semaphore(%arg23 : memref<!tpu.dma_semaphore, #tpu.memory_space<semaphore_mem>>)
        } else {
        }
        %add3A_117 = arith.constant 2 : i32
        %add3A_118 = arith.addi %add3A_46, %add3A_117 : i32
        %lt3A_119 = arith.constant 156 : i32
        %lt3A_120 = arith.cmpi slt, %add3A_118, %lt3A_119 : i32
        %convert_element_type3A_121 = arith.extui %lt3A_120 : i1 to i32
        %cond3A_122 = arith.constant 0 : i32
        %cond3A_123 = arith.cmpi ne, %convert_element_type3A_121, %cond3A_122 : i32
        scf.if %cond3A_123 {
          %add3A_136 = arith.constant 2 : i32
          %add3A_137 = arith.addi %add3A_46, %add3A_136 : i32
          %mul3A_138 = arith.constant 32 : i32
          %mul3A_139 = arith.muli %add3A_137, %mul3A_138 : i32
          %add3A_140 = arith.addi %add3A, %mul3A_139 : i32
          %mul3A_141 = arith.constant 64 : i32
          %mul3A_142 = arith.muli %add3A_140, %mul3A_141 : i32
          %dma_start3A_143 = tpu.memref_slice %arg3[%mul3A_142] : memref<320000xi32, #tpu.memory_space<hbm>> -> memref<64xi32, #tpu.memory_space<hbm>>
          %dma_start3A_144 = tpu.memref_slice %arg3[%mul3A_142] : memref<320000xi32, #tpu.memory_space<hbm>> -> memref<64xi32, #tpu.memory_space<hbm>>
          tpu.enqueue_dma source(%dma_start3A_144 : memref<64xi32, #tpu.memory_space<hbm>>) target(%arg12 : memref<64xi32, #tpu.memory_space<vmem>>) target_semaphore(%arg32 : memref<!tpu.dma_semaphore, #tpu.memory_space<semaphore_mem>>)
          %dma_start3A_145 = tpu.memref_slice %arg4[%mul3A_142] : memref<320000xi32, #tpu.memory_space<hbm>> -> memref<64xi32, #tpu.memory_space<hbm>>
          %dma_start3A_146 = tpu.memref_slice %arg4[%mul3A_142] : memref<320000xi32, #tpu.memory_space<hbm>> -> memref<64xi32, #tpu.memory_space<hbm>>
          tpu.enqueue_dma source(%dma_start3A_146 : memref<64xi32, #tpu.memory_space<hbm>>) target(%arg16 : memref<64xi32, #tpu.memory_space<vmem>>) target_semaphore(%arg32 : memref<!tpu.dma_semaphore, #tpu.memory_space<semaphore_mem>>)
        } else {
        }
        %dma_wait3A = arith.constant 0 : i32
        %dma_wait3A_124 = arith.constant 0 : i32
        %dma_wait3A_125 = tpu.memref_slice %arg2[%dma_wait3A, %dma_wait3A_124] : memref<10000x128xf32, #tpu.memory_space<hbm>> -> memref<10000x128xf32, #tpu.memory_space<hbm>>
        tpu.wait_indirect_dma semaphore(%arg22 : memref<!tpu.dma_semaphore, #tpu.memory_space<semaphore_mem>>) src(%dma_wait3A_125 : memref<10000x128xf32, #tpu.memory_space<hbm>>) dst(%arg18 : memref<64x128xf32, #tpu.memory_space<vmem>>)
        %dma_start3A_126 = arith.constant 0 : i32
        %dma_start3A_127 = arith.constant 0 : i32
        %dma_start3A_128 = tpu.memref_slice %arg8[%dma_start3A_126, %dma_start3A_127] : memref<10112x128xf32, #tpu.memory_space<vmem_shared>> -> memref<10112x128xf32, #tpu.memory_space<vmem_shared>>
        tpu.enqueue_indirect_dma source(%arg18 : memref<64x128xf32, #tpu.memory_space<vmem>>) target(%dma_start3A_128 : memref<10112x128xf32, #tpu.memory_space<vmem_shared>>) offsets(%arg14 : memref<64xi32, #tpu.memory_space<vmem>>) semaphore(%arg26 : memref<!tpu.dma_semaphore, #tpu.memory_space<semaphore_mem>>) {add = true}
        %get3A = arith.constant 0 : index
        %get3A_129 = tpu.vector_load %arg14[%get3A] {strides = array<i32>} : memref<64xi32, #tpu.memory_space<vmem>>, vector<16xi32>,
        tpu.vector_store_idx %arg9[%get3A_129], %broadcast_in_dim3A_11 {add = true} : memref<10000xf32, #tpu.memory_space<vmem>>[vector<16xi32>], vector<16xf32>,
        %get3A_130 = arith.constant 16 : index
        %get3A_131 = tpu.vector_load %arg14[%get3A_130] {strides = array<i32>} : memref<64xi32, #tpu.memory_space<vmem>>, vector<16xi32>,
        tpu.vector_store_idx %arg9[%get3A_131], %broadcast_in_dim3A_11 {add = true} : memref<10000xf32, #tpu.memory_space<vmem>>[vector<16xi32>], vector<16xf32>,
        %get3A_132 = arith.constant 32 : index
        %get3A_133 = tpu.vector_load %arg14[%get3A_132] {strides = array<i32>} : memref<64xi32, #tpu.memory_space<vmem>>, vector<16xi32>,
        tpu.vector_store_idx %arg9[%get3A_133], %broadcast_in_dim3A_11 {add = true} : memref<10000xf32, #tpu.memory_space<vmem>>[vector<16xi32>], vector<16xf32>,
        %get3A_134 = arith.constant 48 : index
        %get3A_135 = tpu.vector_load %arg14[%get3A_134] {strides = array<i32>} : memref<64xi32, #tpu.memory_space<vmem>>, vector<16xi32>,
        tpu.vector_store_idx %arg9[%get3A_135], %broadcast_in_dim3A_11 {add = true} : memref<10000xf32, #tpu.memory_space<vmem>>[vector<16xi32>], vector<16xf32>,
      } else {
      }
      %mul3A_58 = arith.constant 4 : i32
      %mul3A_59 = arith.muli %scan3A_41, %mul3A_58 : i32
      %add3A_60 = arith.constant 1 : i32
      %add3A_61 = arith.addi %mul3A_59, %add3A_60 : i32
      %ge3A_62 = arith.constant 2 : i32
      %ge3A_63 = arith.cmpi sge, %add3A_61, %ge3A_62 : i32
      %lt3A_64 = arith.constant 158 : i32
      %lt3A_65 = arith.cmpi slt, %add3A_61, %lt3A_64 : i32
      %and3A_66 = arith.andi %ge3A_63, %lt3A_65 : i1
      %convert_element_type3A_67 = arith.extui %and3A_66 : i1 to i32
      %cond3A_68 = arith.constant 0 : i32
      %cond3A_69 = arith.cmpi ne, %convert_element_type3A_67, %cond3A_68 : i32
      scf.if %cond3A_69 {
        %dma_wait3A = arith.constant 0 : i32
        %dma_wait3A_110 = arith.constant 0 : i32
        %dma_wait3A_111 = tpu.memref_slice %arg8[%dma_wait3A, %dma_wait3A_110] : memref<10112x128xf32, #tpu.memory_space<vmem_shared>> -> memref<10112x128xf32, #tpu.memory_space<vmem_shared>>
        tpu.wait_indirect_dma semaphore(%arg29 : memref<!tpu.dma_semaphore, #tpu.memory_space<semaphore_mem>>) src(%arg21 : memref<64x128xf32, #tpu.memory_space<vmem>>) dst(%dma_wait3A_111 : memref<10112x128xf32, #tpu.memory_space<vmem_shared>>)
      } else {
      }
      %lt3A_70 = arith.constant 156 : i32
      %lt3A_71 = arith.cmpi slt, %add3A_61, %lt3A_70 : i32
      %convert_element_type3A_72 = arith.extui %lt3A_71 : i1 to i32
      %cond3A_73 = arith.constant 0 : i32
      %cond3A_74 = arith.cmpi ne, %convert_element_type3A_72, %cond3A_73 : i32
      scf.if %cond3A_74 {
        %add3A_110 = arith.constant 1 : i32
        %add3A_111 = arith.addi %add3A_61, %add3A_110 : i32
        %lt3A_112 = arith.constant 156 : i32
        %lt3A_113 = arith.cmpi slt, %add3A_111, %lt3A_112 : i32
        %convert_element_type3A_114 = arith.extui %lt3A_113 : i1 to i32
        %cond3A_115 = arith.constant 0 : i32
        %cond3A_116 = arith.cmpi ne, %convert_element_type3A_114, %cond3A_115 : i32
        scf.if %cond3A_116 {
          %add3A_136 = arith.constant 1 : i32
          %add3A_137 = arith.addi %add3A_61, %add3A_136 : i32
          %mul3A_138 = arith.constant 32 : i32
          %mul3A_139 = arith.muli %add3A_137, %mul3A_138 : i32
          %add3A_140 = arith.addi %add3A, %mul3A_139 : i32
          %mul3A_141 = arith.constant 64 : i32
          %mul3A_142 = arith.muli %add3A_140, %mul3A_141 : i32
          %dma_wait3A_143 = tpu.memref_slice %arg3[%mul3A_142] : memref<320000xi32, #tpu.memory_space<hbm>> -> memref<64xi32, #tpu.memory_space<hbm>>
          %dma_wait3A_144 = tpu.memref_slice %arg3[%mul3A_142] : memref<320000xi32, #tpu.memory_space<hbm>> -> memref<64xi32, #tpu.memory_space<hbm>>
          tpu.wait_dma2 semaphore(%arg32 : memref<!tpu.dma_semaphore, #tpu.memory_space<semaphore_mem>>) src(%dma_wait3A_144 : memref<64xi32, #tpu.memory_space<hbm>>) dst(%arg12 : memref<64xi32, #tpu.memory_space<vmem>>)
          %dma_wait3A_145 = tpu.memref_slice %arg4[%mul3A_142] : memref<320000xi32, #tpu.memory_space<hbm>> -> memref<64xi32, #tpu.memory_space<hbm>>
          %dma_wait3A_146 = tpu.memref_slice %arg4[%mul3A_142] : memref<320000xi32, #tpu.memory_space<hbm>> -> memref<64xi32, #tpu.memory_space<hbm>>
          tpu.wait_dma2 semaphore(%arg32 : memref<!tpu.dma_semaphore, #tpu.memory_space<semaphore_mem>>) src(%dma_wait3A_146 : memref<64xi32, #tpu.memory_space<hbm>>) dst(%arg16 : memref<64xi32, #tpu.memory_space<vmem>>)
          %dma_start3A_147 = arith.constant 0 : i32
          %dma_start3A_148 = arith.constant 0 : i32
          %dma_start3A_149 = tpu.memref_slice %arg2[%dma_start3A_147, %dma_start3A_148] : memref<10000x128xf32, #tpu.memory_space<hbm>> -> memref<10000x128xf32, #tpu.memory_space<hbm>>
          tpu.enqueue_indirect_dma source(%dma_start3A_149 : memref<10000x128xf32, #tpu.memory_space<hbm>>) target(%arg20 : memref<64x128xf32, #tpu.memory_space<vmem>>) offsets(%arg12 : memref<64xi32, #tpu.memory_space<vmem>>) semaphore(%arg24 : memref<!tpu.dma_semaphore, #tpu.memory_space<semaphore_mem>>)
        } else {
        }
        %add3A_117 = arith.constant 2 : i32
        %add3A_118 = arith.addi %add3A_61, %add3A_117 : i32
        %lt3A_119 = arith.constant 156 : i32
        %lt3A_120 = arith.cmpi slt, %add3A_118, %lt3A_119 : i32
        %convert_element_type3A_121 = arith.extui %lt3A_120 : i1 to i32
        %cond3A_122 = arith.constant 0 : i32
        %cond3A_123 = arith.cmpi ne, %convert_element_type3A_121, %cond3A_122 : i32
        scf.if %cond3A_123 {
          %add3A_136 = arith.constant 2 : i32
          %add3A_137 = arith.addi %add3A_61, %add3A_136 : i32
          %mul3A_138 = arith.constant 32 : i32
          %mul3A_139 = arith.muli %add3A_137, %mul3A_138 : i32
          %add3A_140 = arith.addi %add3A, %mul3A_139 : i32
          %mul3A_141 = arith.constant 64 : i32
          %mul3A_142 = arith.muli %add3A_140, %mul3A_141 : i32
          %dma_start3A_143 = tpu.memref_slice %arg3[%mul3A_142] : memref<320000xi32, #tpu.memory_space<hbm>> -> memref<64xi32, #tpu.memory_space<hbm>>
          %dma_start3A_144 = tpu.memref_slice %arg3[%mul3A_142] : memref<320000xi32, #tpu.memory_space<hbm>> -> memref<64xi32, #tpu.memory_space<hbm>>
          tpu.enqueue_dma source(%dma_start3A_144 : memref<64xi32, #tpu.memory_space<hbm>>) target(%arg13 : memref<64xi32, #tpu.memory_space<vmem>>) target_semaphore(%arg33 : memref<!tpu.dma_semaphore, #tpu.memory_space<semaphore_mem>>)
          %dma_start3A_145 = tpu.memref_slice %arg4[%mul3A_142] : memref<320000xi32, #tpu.memory_space<hbm>> -> memref<64xi32, #tpu.memory_space<hbm>>
          %dma_start3A_146 = tpu.memref_slice %arg4[%mul3A_142] : memref<320000xi32, #tpu.memory_space<hbm>> -> memref<64xi32, #tpu.memory_space<hbm>>
          tpu.enqueue_dma source(%dma_start3A_146 : memref<64xi32, #tpu.memory_space<hbm>>) target(%arg17 : memref<64xi32, #tpu.memory_space<vmem>>) target_semaphore(%arg33 : memref<!tpu.dma_semaphore, #tpu.memory_space<semaphore_mem>>)
        } else {
        }
        %dma_wait3A = arith.constant 0 : i32
        %dma_wait3A_124 = arith.constant 0 : i32
        %dma_wait3A_125 = tpu.memref_slice %arg2[%dma_wait3A, %dma_wait3A_124] : memref<10000x128xf32, #tpu.memory_space<hbm>> -> memref<10000x128xf32, #tpu.memory_space<hbm>>
        tpu.wait_indirect_dma semaphore(%arg23 : memref<!tpu.dma_semaphore, #tpu.memory_space<semaphore_mem>>) src(%dma_wait3A_125 : memref<10000x128xf32, #tpu.memory_space<hbm>>) dst(%arg19 : memref<64x128xf32, #tpu.memory_space<vmem>>)
        %dma_start3A_126 = arith.constant 0 : i32
        %dma_start3A_127 = arith.constant 0 : i32
        %dma_start3A_128 = tpu.memref_slice %arg8[%dma_start3A_126, %dma_start3A_127] : memref<10112x128xf32, #tpu.memory_space<vmem_shared>> -> memref<10112x128xf32, #tpu.memory_space<vmem_shared>>
        tpu.enqueue_indirect_dma source(%arg19 : memref<64x128xf32, #tpu.memory_space<vmem>>) target(%dma_start3A_128 : memref<10112x128xf32, #tpu.memory_space<vmem_shared>>) offsets(%arg15 : memref<64xi32, #tpu.memory_space<vmem>>) semaphore(%arg27 : memref<!tpu.dma_semaphore, #tpu.memory_space<semaphore_mem>>) {add = true}
        %get3A = arith.constant 0 : index
        %get3A_129 = tpu.vector_load %arg15[%get3A] {strides = array<i32>} : memref<64xi32, #tpu.memory_space<vmem>>, vector<16xi32>,
        tpu.vector_store_idx %arg9[%get3A_129], %broadcast_in_dim3A_11 {add = true} : memref<10000xf32, #tpu.memory_space<vmem>>[vector<16xi32>], vector<16xf32>,
        %get3A_130 = arith.constant 16 : index
        %get3A_131 = tpu.vector_load %arg15[%get3A_130] {strides = array<i32>} : memref<64xi32, #tpu.memory_space<vmem>>, vector<16xi32>,
        tpu.vector_store_idx %arg9[%get3A_131], %broadcast_in_dim3A_11 {add = true} : memref<10000xf32, #tpu.memory_space<vmem>>[vector<16xi32>], vector<16xf32>,
        %get3A_132 = arith.constant 32 : index
        %get3A_133 = tpu.vector_load %arg15[%get3A_132] {strides = array<i32>} : memref<64xi32, #tpu.memory_space<vmem>>, vector<16xi32>,
        tpu.vector_store_idx %arg9[%get3A_133], %broadcast_in_dim3A_11 {add = true} : memref<10000xf32, #tpu.memory_space<vmem>>[vector<16xi32>], vector<16xf32>,
        %get3A_134 = arith.constant 48 : index
        %get3A_135 = tpu.vector_load %arg15[%get3A_134] {strides = array<i32>} : memref<64xi32, #tpu.memory_space<vmem>>, vector<16xi32>,
        tpu.vector_store_idx %arg9[%get3A_135], %broadcast_in_dim3A_11 {add = true} : memref<10000xf32, #tpu.memory_space<vmem>>[vector<16xi32>], vector<16xf32>,
      } else {
      }
      %mul3A_75 = arith.constant 4 : i32
      %mul3A_76 = arith.muli %scan3A_41, %mul3A_75 : i32
      %add3A_77 = arith.constant 2 : i32
      %add3A_78 = arith.addi %mul3A_76, %add3A_77 : i32
      %ge3A_79 = arith.constant 2 : i32
      %ge3A_80 = arith.cmpi sge, %add3A_78, %ge3A_79 : i32
      %lt3A_81 = arith.constant 158 : i32
      %lt3A_82 = arith.cmpi slt, %add3A_78, %lt3A_81 : i32
      %and3A_83 = arith.andi %ge3A_80, %lt3A_82 : i1
      %convert_element_type3A_84 = arith.extui %and3A_83 : i1 to i32
      %cond3A_85 = arith.constant 0 : i32
      %cond3A_86 = arith.cmpi ne, %convert_element_type3A_84, %cond3A_85 : i32
      scf.if %cond3A_86 {
        %dma_wait3A = arith.constant 0 : i32
        %dma_wait3A_110 = arith.constant 0 : i32
        %dma_wait3A_111 = tpu.memref_slice %arg8[%dma_wait3A, %dma_wait3A_110] : memref<10112x128xf32, #tpu.memory_space<vmem_shared>> -> memref<10112x128xf32, #tpu.memory_space<vmem_shared>>
        tpu.wait_indirect_dma semaphore(%arg26 : memref<!tpu.dma_semaphore, #tpu.memory_space<semaphore_mem>>) src(%arg18 : memref<64x128xf32, #tpu.memory_space<vmem>>) dst(%dma_wait3A_111 : memref<10112x128xf32, #tpu.memory_space<vmem_shared>>)
      } else {
      }
      %lt3A_87 = arith.constant 156 : i32
      %lt3A_88 = arith.cmpi slt, %add3A_78, %lt3A_87 : i32
      %convert_element_type3A_89 = arith.extui %lt3A_88 : i1 to i32
      %cond3A_90 = arith.constant 0 : i32
      %cond3A_91 = arith.cmpi ne, %convert_element_type3A_89, %cond3A_90 : i32
      scf.if %cond3A_91 {
        %add3A_110 = arith.constant 1 : i32
        %add3A_111 = arith.addi %add3A_78, %add3A_110 : i32
        %lt3A_112 = arith.constant 156 : i32
        %lt3A_113 = arith.cmpi slt, %add3A_111, %lt3A_112 : i32
        %convert_element_type3A_114 = arith.extui %lt3A_113 : i1 to i32
        %cond3A_115 = arith.constant 0 : i32
        %cond3A_116 = arith.cmpi ne, %convert_element_type3A_114, %cond3A_115 : i32
        scf.if %cond3A_116 {
          %add3A_136 = arith.constant 1 : i32
          %add3A_137 = arith.addi %add3A_78, %add3A_136 : i32
          %mul3A_138 = arith.constant 32 : i32
          %mul3A_139 = arith.muli %add3A_137, %mul3A_138 : i32
          %add3A_140 = arith.addi %add3A, %mul3A_139 : i32
          %mul3A_141 = arith.constant 64 : i32
          %mul3A_142 = arith.muli %add3A_140, %mul3A_141 : i32
          %dma_wait3A_143 = tpu.memref_slice %arg3[%mul3A_142] : memref<320000xi32, #tpu.memory_space<hbm>> -> memref<64xi32, #tpu.memory_space<hbm>>
          %dma_wait3A_144 = tpu.memref_slice %arg3[%mul3A_142] : memref<320000xi32, #tpu.memory_space<hbm>> -> memref<64xi32, #tpu.memory_space<hbm>>
          tpu.wait_dma2 semaphore(%arg33 : memref<!tpu.dma_semaphore, #tpu.memory_space<semaphore_mem>>) src(%dma_wait3A_144 : memref<64xi32, #tpu.memory_space<hbm>>) dst(%arg13 : memref<64xi32, #tpu.memory_space<vmem>>)
          %dma_wait3A_145 = tpu.memref_slice %arg4[%mul3A_142] : memref<320000xi32, #tpu.memory_space<hbm>> -> memref<64xi32, #tpu.memory_space<hbm>>
          %dma_wait3A_146 = tpu.memref_slice %arg4[%mul3A_142] : memref<320000xi32, #tpu.memory_space<hbm>> -> memref<64xi32, #tpu.memory_space<hbm>>
          tpu.wait_dma2 semaphore(%arg33 : memref<!tpu.dma_semaphore, #tpu.memory_space<semaphore_mem>>) src(%dma_wait3A_146 : memref<64xi32, #tpu.memory_space<hbm>>) dst(%arg17 : memref<64xi32, #tpu.memory_space<vmem>>)
          %dma_start3A_147 = arith.constant 0 : i32
          %dma_start3A_148 = arith.constant 0 : i32
          %dma_start3A_149 = tpu.memref_slice %arg2[%dma_start3A_147, %dma_start3A_148] : memref<10000x128xf32, #tpu.memory_space<hbm>> -> memref<10000x128xf32, #tpu.memory_space<hbm>>
          tpu.enqueue_indirect_dma source(%dma_start3A_149 : memref<10000x128xf32, #tpu.memory_space<hbm>>) target(%arg21 : memref<64x128xf32, #tpu.memory_space<vmem>>) offsets(%arg13 : memref<64xi32, #tpu.memory_space<vmem>>) semaphore(%arg25 : memref<!tpu.dma_semaphore, #tpu.memory_space<semaphore_mem>>)
        } else {
        }
        %add3A_117 = arith.constant 2 : i32
        %add3A_118 = arith.addi %add3A_78, %add3A_117 : i32
        %lt3A_119 = arith.constant 156 : i32
        %lt3A_120 = arith.cmpi slt, %add3A_118, %lt3A_119 : i32
        %convert_element_type3A_121 = arith.extui %lt3A_120 : i1 to i32
        %cond3A_122 = arith.constant 0 : i32
        %cond3A_123 = arith.cmpi ne, %convert_element_type3A_121, %cond3A_122 : i32
        scf.if %cond3A_123 {
          %add3A_136 = arith.constant 2 : i32
          %add3A_137 = arith.addi %add3A_78, %add3A_136 : i32
          %mul3A_138 = arith.constant 32 : i32
          %mul3A_139 = arith.muli %add3A_137, %mul3A_138 : i32
          %add3A_140 = arith.addi %add3A, %mul3A_139 : i32
          %mul3A_141 = arith.constant 64 : i32
          %mul3A_142 = arith.muli %add3A_140, %mul3A_141 : i32
          %dma_start3A_143 = tpu.memref_slice %arg3[%mul3A_142] : memref<320000xi32, #tpu.memory_space<hbm>> -> memref<64xi32, #tpu.memory_space<hbm>>
          %dma_start3A_144 = tpu.memref_slice %arg3[%mul3A_142] : memref<320000xi32, #tpu.memory_space<hbm>> -> memref<64xi32, #tpu.memory_space<hbm>>
          tpu.enqueue_dma source(%dma_start3A_144 : memref<64xi32, #tpu.memory_space<hbm>>) target(%arg10 : memref<64xi32, #tpu.memory_space<vmem>>) target_semaphore(%arg30 : memref<!tpu.dma_semaphore, #tpu.memory_space<semaphore_mem>>)
          %dma_start3A_145 = tpu.memref_slice %arg4[%mul3A_142] : memref<320000xi32, #tpu.memory_space<hbm>> -> memref<64xi32, #tpu.memory_space<hbm>>
          %dma_start3A_146 = tpu.memref_slice %arg4[%mul3A_142] : memref<320000xi32, #tpu.memory_space<hbm>> -> memref<64xi32, #tpu.memory_space<hbm>>
          tpu.enqueue_dma source(%dma_start3A_146 : memref<64xi32, #tpu.memory_space<hbm>>) target(%arg14 : memref<64xi32, #tpu.memory_space<vmem>>) target_semaphore(%arg30 : memref<!tpu.dma_semaphore, #tpu.memory_space<semaphore_mem>>)
        } else {
        }
        %dma_wait3A = arith.constant 0 : i32
        %dma_wait3A_124 = arith.constant 0 : i32
        %dma_wait3A_125 = tpu.memref_slice %arg2[%dma_wait3A, %dma_wait3A_124] : memref<10000x128xf32, #tpu.memory_space<hbm>> -> memref<10000x128xf32, #tpu.memory_space<hbm>>
        tpu.wait_indirect_dma semaphore(%arg24 : memref<!tpu.dma_semaphore, #tpu.memory_space<semaphore_mem>>) src(%dma_wait3A_125 : memref<10000x128xf32, #tpu.memory_space<hbm>>) dst(%arg20 : memref<64x128xf32, #tpu.memory_space<vmem>>)
        %dma_start3A_126 = arith.constant 0 : i32
        %dma_start3A_127 = arith.constant 0 : i32
        %dma_start3A_128 = tpu.memref_slice %arg8[%dma_start3A_126, %dma_start3A_127] : memref<10112x128xf32, #tpu.memory_space<vmem_shared>> -> memref<10112x128xf32, #tpu.memory_space<vmem_shared>>
        tpu.enqueue_indirect_dma source(%arg20 : memref<64x128xf32, #tpu.memory_space<vmem>>) target(%dma_start3A_128 : memref<10112x128xf32, #tpu.memory_space<vmem_shared>>) offsets(%arg16 : memref<64xi32, #tpu.memory_space<vmem>>) semaphore(%arg28 : memref<!tpu.dma_semaphore, #tpu.memory_space<semaphore_mem>>) {add = true}
        %get3A = arith.constant 0 : index
        %get3A_129 = tpu.vector_load %arg16[%get3A] {strides = array<i32>} : memref<64xi32, #tpu.memory_space<vmem>>, vector<16xi32>,
        tpu.vector_store_idx %arg9[%get3A_129], %broadcast_in_dim3A_11 {add = true} : memref<10000xf32, #tpu.memory_space<vmem>>[vector<16xi32>], vector<16xf32>,
        %get3A_130 = arith.constant 16 : index
        %get3A_131 = tpu.vector_load %arg16[%get3A_130] {strides = array<i32>} : memref<64xi32, #tpu.memory_space<vmem>>, vector<16xi32>,
        tpu.vector_store_idx %arg9[%get3A_131], %broadcast_in_dim3A_11 {add = true} : memref<10000xf32, #tpu.memory_space<vmem>>[vector<16xi32>], vector<16xf32>,
        %get3A_132 = arith.constant 32 : index
        %get3A_133 = tpu.vector_load %arg16[%get3A_132] {strides = array<i32>} : memref<64xi32, #tpu.memory_space<vmem>>, vector<16xi32>,
        tpu.vector_store_idx %arg9[%get3A_133], %broadcast_in_dim3A_11 {add = true} : memref<10000xf32, #tpu.memory_space<vmem>>[vector<16xi32>], vector<16xf32>,
        %get3A_134 = arith.constant 48 : index
        %get3A_135 = tpu.vector_load %arg16[%get3A_134] {strides = array<i32>} : memref<64xi32, #tpu.memory_space<vmem>>, vector<16xi32>,
        tpu.vector_store_idx %arg9[%get3A_135], %broadcast_in_dim3A_11 {add = true} : memref<10000xf32, #tpu.memory_space<vmem>>[vector<16xi32>], vector<16xf32>,
      } else {
      }
      %mul3A_92 = arith.constant 4 : i32
      %mul3A_93 = arith.muli %scan3A_41, %mul3A_92 : i32
      %add3A_94 = arith.constant 3 : i32
      %add3A_95 = arith.addi %mul3A_93, %add3A_94 : i32
      %ge3A_96 = arith.constant 2 : i32
      %ge3A_97 = arith.cmpi sge, %add3A_95, %ge3A_96 : i32
      %lt3A_98 = arith.constant 158 : i32
      %lt3A_99 = arith.cmpi slt, %add3A_95, %lt3A_98 : i32
      %and3A_100 = arith.andi %ge3A_97, %lt3A_99 : i1
      %convert_element_type3A_101 = arith.extui %and3A_100 : i1 to i32
      %cond3A_102 = arith.constant 0 : i32
      %cond3A_103 = arith.cmpi ne, %convert_element_type3A_101, %cond3A_102 : i32
      scf.if %cond3A_103 {
        %dma_wait3A = arith.constant 0 : i32
        %dma_wait3A_110 = arith.constant 0 : i32
        %dma_wait3A_111 = tpu.memref_slice %arg8[%dma_wait3A, %dma_wait3A_110] : memref<10112x128xf32, #tpu.memory_space<vmem_shared>> -> memref<10112x128xf32, #tpu.memory_space<vmem_shared>>
        tpu.wait_indirect_dma semaphore(%arg27 : memref<!tpu.dma_semaphore, #tpu.memory_space<semaphore_mem>>) src(%arg19 : memref<64x128xf32, #tpu.memory_space<vmem>>) dst(%dma_wait3A_111 : memref<10112x128xf32, #tpu.memory_space<vmem_shared>>)
      } else {
      }
      %lt3A_104 = arith.constant 156 : i32
      %lt3A_105 = arith.cmpi slt, %add3A_95, %lt3A_104 : i32
      %convert_element_type3A_106 = arith.extui %lt3A_105 : i1 to i32
      %cond3A_107 = arith.constant 0 : i32
      %cond3A_108 = arith.cmpi ne, %convert_element_type3A_106, %cond3A_107 : i32
      scf.if %cond3A_108 {
        %add3A_110 = arith.constant 1 : i32
        %add3A_111 = arith.addi %add3A_95, %add3A_110 : i32
        %lt3A_112 = arith.constant 156 : i32
        %lt3A_113 = arith.cmpi slt, %add3A_111, %lt3A_112 : i32
        %convert_element_type3A_114 = arith.extui %lt3A_113 : i1 to i32
        %cond3A_115 = arith.constant 0 : i32
        %cond3A_116 = arith.cmpi ne, %convert_element_type3A_114, %cond3A_115 : i32
        scf.if %cond3A_116 {
          %add3A_136 = arith.constant 1 : i32
          %add3A_137 = arith.addi %add3A_95, %add3A_136 : i32
          %mul3A_138 = arith.constant 32 : i32
          %mul3A_139 = arith.muli %add3A_137, %mul3A_138 : i32
          %add3A_140 = arith.addi %add3A, %mul3A_139 : i32
          %mul3A_141 = arith.constant 64 : i32
          %mul3A_142 = arith.muli %add3A_140, %mul3A_141 : i32
          %dma_wait3A_143 = tpu.memref_slice %arg3[%mul3A_142] : memref<320000xi32, #tpu.memory_space<hbm>> -> memref<64xi32, #tpu.memory_space<hbm>>
          %dma_wait3A_144 = tpu.memref_slice %arg3[%mul3A_142] : memref<320000xi32, #tpu.memory_space<hbm>> -> memref<64xi32, #tpu.memory_space<hbm>>
          tpu.wait_dma2 semaphore(%arg30 : memref<!tpu.dma_semaphore, #tpu.memory_space<semaphore_mem>>) src(%dma_wait3A_144 : memref<64xi32, #tpu.memory_space<hbm>>) dst(%arg10 : memref<64xi32, #tpu.memory_space<vmem>>)
          %dma_wait3A_145 = tpu.memref_slice %arg4[%mul3A_142] : memref<320000xi32, #tpu.memory_space<hbm>> -> memref<64xi32, #tpu.memory_space<hbm>>
          %dma_wait3A_146 = tpu.memref_slice %arg4[%mul3A_142] : memref<320000xi32, #tpu.memory_space<hbm>> -> memref<64xi32, #tpu.memory_space<hbm>>
          tpu.wait_dma2 semaphore(%arg30 : memref<!tpu.dma_semaphore, #tpu.memory_space<semaphore_mem>>) src(%dma_wait3A_146 : memref<64xi32, #tpu.memory_space<hbm>>) dst(%arg14 : memref<64xi32, #tpu.memory_space<vmem>>)
          %dma_start3A_147 = arith.constant 0 : i32
          %dma_start3A_148 = arith.constant 0 : i32
          %dma_start3A_149 = tpu.memref_slice %arg2[%dma_start3A_147, %dma_start3A_148] : memref<10000x128xf32, #tpu.memory_space<hbm>> -> memref<10000x128xf32, #tpu.memory_space<hbm>>
          tpu.enqueue_indirect_dma source(%dma_start3A_149 : memref<10000x128xf32, #tpu.memory_space<hbm>>) target(%arg18 : memref<64x128xf32, #tpu.memory_space<vmem>>) offsets(%arg10 : memref<64xi32, #tpu.memory_space<vmem>>) semaphore(%arg22 : memref<!tpu.dma_semaphore, #tpu.memory_space<semaphore_mem>>)
        } else {
        }
        %add3A_117 = arith.constant 2 : i32
        %add3A_118 = arith.addi %add3A_95, %add3A_117 : i32
        %lt3A_119 = arith.constant 156 : i32
        %lt3A_120 = arith.cmpi slt, %add3A_118, %lt3A_119 : i32
        %convert_element_type3A_121 = arith.extui %lt3A_120 : i1 to i32
        %cond3A_122 = arith.constant 0 : i32
        %cond3A_123 = arith.cmpi ne, %convert_element_type3A_121, %cond3A_122 : i32
        scf.if %cond3A_123 {
          %add3A_136 = arith.constant 2 : i32
          %add3A_137 = arith.addi %add3A_95, %add3A_136 : i32
          %mul3A_138 = arith.constant 32 : i32
          %mul3A_139 = arith.muli %add3A_137, %mul3A_138 : i32
          %add3A_140 = arith.addi %add3A, %mul3A_139 : i32
          %mul3A_141 = arith.constant 64 : i32
          %mul3A_142 = arith.muli %add3A_140, %mul3A_141 : i32
          %dma_start3A_143 = tpu.memref_slice %arg3[%mul3A_142] : memref<320000xi32, #tpu.memory_space<hbm>> -> memref<64xi32, #tpu.memory_space<hbm>>
          %dma_start3A_144 = tpu.memref_slice %arg3[%mul3A_142] : memref<320000xi32, #tpu.memory_space<hbm>> -> memref<64xi32, #tpu.memory_space<hbm>>
          tpu.enqueue_dma source(%dma_start3A_144 : memref<64xi32, #tpu.memory_space<hbm>>) target(%arg11 : memref<64xi32, #tpu.memory_space<vmem>>) target_semaphore(%arg31 : memref<!tpu.dma_semaphore, #tpu.memory_space<semaphore_mem>>)
          %dma_start3A_145 = tpu.memref_slice %arg4[%mul3A_142] : memref<320000xi32, #tpu.memory_space<hbm>> -> memref<64xi32, #tpu.memory_space<hbm>>
          %dma_start3A_146 = tpu.memref_slice %arg4[%mul3A_142] : memref<320000xi32, #tpu.memory_space<hbm>> -> memref<64xi32, #tpu.memory_space<hbm>>
          tpu.enqueue_dma source(%dma_start3A_146 : memref<64xi32, #tpu.memory_space<hbm>>) target(%arg15 : memref<64xi32, #tpu.memory_space<vmem>>) target_semaphore(%arg31 : memref<!tpu.dma_semaphore, #tpu.memory_space<semaphore_mem>>)
        } else {
        }
        %dma_wait3A = arith.constant 0 : i32
        %dma_wait3A_124 = arith.constant 0 : i32
        %dma_wait3A_125 = tpu.memref_slice %arg2[%dma_wait3A, %dma_wait3A_124] : memref<10000x128xf32, #tpu.memory_space<hbm>> -> memref<10000x128xf32, #tpu.memory_space<hbm>>
        tpu.wait_indirect_dma semaphore(%arg25 : memref<!tpu.dma_semaphore, #tpu.memory_space<semaphore_mem>>) src(%dma_wait3A_125 : memref<10000x128xf32, #tpu.memory_space<hbm>>) dst(%arg21 : memref<64x128xf32, #tpu.memory_space<vmem>>)
        %dma_start3A_126 = arith.constant 0 : i32
        %dma_start3A_127 = arith.constant 0 : i32
        %dma_start3A_128 = tpu.memref_slice %arg8[%dma_start3A_126, %dma_start3A_127] : memref<10112x128xf32, #tpu.memory_space<vmem_shared>> -> memref<10112x128xf32, #tpu.memory_space<vmem_shared>>
        tpu.enqueue_indirect_dma source(%arg21 : memref<64x128xf32, #tpu.memory_space<vmem>>) target(%dma_start3A_128 : memref<10112x128xf32, #tpu.memory_space<vmem_shared>>) offsets(%arg17 : memref<64xi32, #tpu.memory_space<vmem>>) semaphore(%arg29 : memref<!tpu.dma_semaphore, #tpu.memory_space<semaphore_mem>>) {add = true}
        %get3A = arith.constant 0 : index
        %get3A_129 = tpu.vector_load %arg17[%get3A] {strides = array<i32>} : memref<64xi32, #tpu.memory_space<vmem>>, vector<16xi32>,
        tpu.vector_store_idx %arg9[%get3A_129], %broadcast_in_dim3A_11 {add = true} : memref<10000xf32, #tpu.memory_space<vmem>>[vector<16xi32>], vector<16xf32>,
        %get3A_130 = arith.constant 16 : index
        %get3A_131 = tpu.vector_load %arg17[%get3A_130] {strides = array<i32>} : memref<64xi32, #tpu.memory_space<vmem>>, vector<16xi32>,
        tpu.vector_store_idx %arg9[%get3A_131], %broadcast_in_dim3A_11 {add = true} : memref<10000xf32, #tpu.memory_space<vmem>>[vector<16xi32>], vector<16xf32>,
        %get3A_132 = arith.constant 32 : index
        %get3A_133 = tpu.vector_load %arg17[%get3A_132] {strides = array<i32>} : memref<64xi32, #tpu.memory_space<vmem>>, vector<16xi32>,
        tpu.vector_store_idx %arg9[%get3A_133], %broadcast_in_dim3A_11 {add = true} : memref<10000xf32, #tpu.memory_space<vmem>>[vector<16xi32>], vector<16xf32>,
        %get3A_134 = arith.constant 48 : index
        %get3A_135 = tpu.vector_load %arg17[%get3A_134] {strides = array<i32>} : memref<64xi32, #tpu.memory_space<vmem>>, vector<16xi32>,
        tpu.vector_store_idx %arg9[%get3A_135], %broadcast_in_dim3A_11 {add = true} : memref<10000xf32, #tpu.memory_space<vmem>>[vector<16xi32>], vector<16xf32>,
      } else {
      }
      %scan3A_109 = arith.constant 0 : i32
      scf.yield %scan3A_109 : i32
    }
    %scan3A_32 = arith.constant 40 : i32
    %lt3A = arith.constant 8 : i32
    %lt3A_33 = arith.cmpi slt, %add3A, %lt3A : i32
    %convert_element_type3A = arith.extui %lt3A_33 : i1 to i32
    %cond3A = arith.constant 0 : i32
    %cond3A_34 = arith.cmpi ne, %convert_element_type3A, %cond3A : i32
    scf.if %cond3A_34 {
      %add3A_41 = arith.constant 4992 : i32
      %add3A_42 = arith.addi %add3A_41, %add3A : i32
      %mul3A_43 = arith.constant 64 : i32
      %mul3A_44 = arith.muli %add3A_42, %mul3A_43 : i32
      "tpu.region"() ({
        %run_scoped3A = tpu.sem_alloc : memref<!tpu.dma_semaphore, #tpu.memory_space<semaphore_mem>>
        %dma_start3A_57 = tpu.memref_slice %arg3[%mul3A_44] : memref<320000xi32, #tpu.memory_space<hbm>> -> memref<64xi32, #tpu.memory_space<hbm>>
        %dma_start3A_58 = tpu.memref_slice %arg3[%mul3A_44] : memref<320000xi32, #tpu.memory_space<hbm>> -> memref<64xi32, #tpu.memory_space<hbm>>
        tpu.enqueue_dma source(%dma_start3A_58 : memref<64xi32, #tpu.memory_space<hbm>>) target(%arg10 : memref<64xi32, #tpu.memory_space<vmem>>) target_semaphore(%run_scoped3A : memref<!tpu.dma_semaphore, #tpu.memory_space<semaphore_mem>>)
        %dma_wait3A_59 = tpu.memref_slice %arg3[%mul3A_44] : memref<320000xi32, #tpu.memory_space<hbm>> -> memref<64xi32, #tpu.memory_space<hbm>>
        %dma_wait3A_60 = tpu.memref_slice %arg3[%mul3A_44] : memref<320000xi32, #tpu.memory_space<hbm>> -> memref<64xi32, #tpu.memory_space<hbm>>
        tpu.wait_dma2 semaphore(%run_scoped3A : memref<!tpu.dma_semaphore, #tpu.memory_space<semaphore_mem>>) src(%dma_wait3A_60 : memref<64xi32, #tpu.memory_space<hbm>>) dst(%arg10 : memref<64xi32, #tpu.memory_space<vmem>>)
        tpu.yield
      }) : () -> ()
      "tpu.region"() ({
        %run_scoped3A = tpu.sem_alloc : memref<!tpu.dma_semaphore, #tpu.memory_space<semaphore_mem>>
        %dma_start3A_57 = tpu.memref_slice %arg4[%mul3A_44] : memref<320000xi32, #tpu.memory_space<hbm>> -> memref<64xi32, #tpu.memory_space<hbm>>
        %dma_start3A_58 = tpu.memref_slice %arg4[%mul3A_44] : memref<320000xi32, #tpu.memory_space<hbm>> -> memref<64xi32, #tpu.memory_space<hbm>>
        tpu.enqueue_dma source(%dma_start3A_58 : memref<64xi32, #tpu.memory_space<hbm>>) target(%arg14 : memref<64xi32, #tpu.memory_space<vmem>>) target_semaphore(%run_scoped3A : memref<!tpu.dma_semaphore, #tpu.memory_space<semaphore_mem>>)
        %dma_wait3A_59 = tpu.memref_slice %arg4[%mul3A_44] : memref<320000xi32, #tpu.memory_space<hbm>> -> memref<64xi32, #tpu.memory_space<hbm>>
        %dma_wait3A_60 = tpu.memref_slice %arg4[%mul3A_44] : memref<320000xi32, #tpu.memory_space<hbm>> -> memref<64xi32, #tpu.memory_space<hbm>>
        tpu.wait_dma2 semaphore(%run_scoped3A : memref<!tpu.dma_semaphore, #tpu.memory_space<semaphore_mem>>) src(%dma_wait3A_60 : memref<64xi32, #tpu.memory_space<hbm>>) dst(%arg14 : memref<64xi32, #tpu.memory_space<vmem>>)
        tpu.yield
      }) : () -> ()
      %dma_start3A_45 = arith.constant 0 : i32
      %dma_start3A_46 = arith.constant 0 : i32
      %dma_start3A_47 = tpu.memref_slice %arg2[%dma_start3A_45, %dma_start3A_46] : memref<10000x128xf32, #tpu.memory_space<hbm>> -> memref<10000x128xf32, #tpu.memory_space<hbm>>
      tpu.enqueue_indirect_dma source(%dma_start3A_47 : memref<10000x128xf32, #tpu.memory_space<hbm>>) target(%arg18 : memref<64x128xf32, #tpu.memory_space<vmem>>) offsets(%arg10 : memref<64xi32, #tpu.memory_space<vmem>>) semaphore(%arg22 : memref<!tpu.dma_semaphore, #tpu.memory_space<semaphore_mem>>)
      %dma_wait3A = arith.constant 0 : i32
      %dma_wait3A_48 = arith.constant 0 : i32
      %dma_wait3A_49 = tpu.memref_slice %arg2[%dma_wait3A, %dma_wait3A_48] : memref<10000x128xf32, #tpu.memory_space<hbm>> -> memref<10000x128xf32, #tpu.memory_space<hbm>>
      tpu.wait_indirect_dma semaphore(%arg22 : memref<!tpu.dma_semaphore, #tpu.memory_space<semaphore_mem>>) src(%dma_wait3A_49 : memref<10000x128xf32, #tpu.memory_space<hbm>>) dst(%arg18 : memref<64x128xf32, #tpu.memory_space<vmem>>)
      "tpu.region"() ({
        %run_scoped3A = tpu.sem_alloc : memref<!tpu.dma_semaphore, #tpu.memory_space<semaphore_mem>>
        %dma_start3A_57 = arith.constant 0 : i32
        %dma_start3A_58 = arith.constant 0 : i32
        %dma_start3A_59 = tpu.memref_slice %arg8[%dma_start3A_57, %dma_start3A_58] : memref<10112x128xf32, #tpu.memory_space<vmem_shared>> -> memref<10112x128xf32, #tpu.memory_space<vmem_shared>>
        tpu.enqueue_indirect_dma source(%arg18 : memref<64x128xf32, #tpu.memory_space<vmem>>) target(%dma_start3A_59 : memref<10112x128xf32, #tpu.memory_space<vmem_shared>>) offsets(%arg14 : memref<64xi32, #tpu.memory_space<vmem>>) semaphore(%run_scoped3A : memref<!tpu.dma_semaphore, #tpu.memory_space<semaphore_mem>>) {add = true}
        %dma_wait3A_60 = arith.constant 0 : i32
        %dma_wait3A_61 = arith.constant 0 : i32
        %dma_wait3A_62 = tpu.memref_slice %arg8[%dma_wait3A_60, %dma_wait3A_61] : memref<10112x128xf32, #tpu.memory_space<vmem_shared>> -> memref<10112x128xf32, #tpu.memory_space<vmem_shared>>
        tpu.wait_indirect_dma semaphore(%run_scoped3A : memref<!tpu.dma_semaphore, #tpu.memory_space<semaphore_mem>>) src(%arg18 : memref<64x128xf32, #tpu.memory_space<vmem>>) dst(%dma_wait3A_62 : memref<10112x128xf32, #tpu.memory_space<vmem_shared>>)
        tpu.yield
      }) : () -> ()
      %get3A = arith.constant 0 : index
      %get3A_50 = tpu.vector_load %arg14[%get3A] {strides = array<i32>} : memref<64xi32, #tpu.memory_space<vmem>>, vector<16xi32>,
      tpu.vector_store_idx %arg9[%get3A_50], %broadcast_in_dim3A_11 {add = true} : memref<10000xf32, #tpu.memory_space<vmem>>[vector<16xi32>], vector<16xf32>,
      %get3A_51 = arith.constant 16 : index
      %get3A_52 = tpu.vector_load %arg14[%get3A_51] {strides = array<i32>} : memref<64xi32, #tpu.memory_space<vmem>>, vector<16xi32>,
      tpu.vector_store_idx %arg9[%get3A_52], %broadcast_in_dim3A_11 {add = true} : memref<10000xf32, #tpu.memory_space<vmem>>[vector<16xi32>], vector<16xf32>,
      %get3A_53 = arith.constant 32 : index
      %get3A_54 = tpu.vector_load %arg14[%get3A_53] {strides = array<i32>} : memref<64xi32, #tpu.memory_space<vmem>>, vector<16xi32>,
      tpu.vector_store_idx %arg9[%get3A_54], %broadcast_in_dim3A_11 {add = true} : memref<10000xf32, #tpu.memory_space<vmem>>[vector<16xi32>], vector<16xf32>,
      %get3A_55 = arith.constant 48 : index
      %get3A_56 = tpu.vector_load %arg14[%get3A_55] {strides = array<i32>} : memref<64xi32, #tpu.memory_space<vmem>>, vector<16xi32>,
      tpu.vector_store_idx %arg9[%get3A_56], %broadcast_in_dim3A_11 {add = true} : memref<10000xf32, #tpu.memory_space<vmem>>[vector<16xi32>], vector<16xf32>,
    } else {
    }
    %barrier3A_35 = arith.constant 0 : index
    tpu.barrier barrier_id(%barrier3A_35)
    %mul3A_36 = arith.constant 632 : i32
    %mul3A_37 = arith.muli %arg1, %mul3A_36 : i32
    %mul3A_38 = arith.constant 10112 : i32
    %mul3A_39 = arith.muli %arg0, %mul3A_38 : i32
    %add3A_40 = arith.addi %mul3A_39, %mul3A_37 : i32
    "tpu.region"() ({
      %run_scoped3A = tpu.sem_alloc : memref<!tpu.dma_semaphore, #tpu.memory_space<semaphore_mem>>
      %dma_start3A_41 = arith.constant 0 : i32
      %dma_start3A_42 = tpu.memref_slice %arg6[%add3A_40, %dma_start3A_41] : memref<20224x128xf32, #tpu.memory_space<hbm>> -> memref<632x128xf32, #tpu.memory_space<hbm>>
      %dma_start3A_43 = arith.constant 0 : i32
      %dma_start3A_44 = tpu.memref_slice %arg8[%mul3A_37, %dma_start3A_43] : memref<10112x128xf32, #tpu.memory_space<vmem_shared>> -> memref<632x128xf32, #tpu.memory_space<vmem_shared>>
      tpu.enqueue_dma source(%dma_start3A_44 : memref<632x128xf32, #tpu.memory_space<vmem_shared>>) target(%dma_start3A_42 : memref<632x128xf32, #tpu.memory_space<hbm>>) target_semaphore(%run_scoped3A : memref<!tpu.dma_semaphore, #tpu.memory_space<semaphore_mem>>)
      %dma_wait3A = arith.constant 0 : i32
      %dma_wait3A_45 = tpu.memref_slice %arg6[%add3A_40, %dma_wait3A] : memref<20224x128xf32, #tpu.memory_space<hbm>> -> memref<632x128xf32, #tpu.memory_space<hbm>>
      %dma_wait3A_46 = arith.constant 0 : i32
      %dma_wait3A_47 = tpu.memref_slice %arg8[%mul3A_37, %dma_wait3A_46] : memref<10112x128xf32, #tpu.memory_space<vmem_shared>> -> memref<632x128xf32, #tpu.memory_space<vmem_shared>>
      tpu.wait_dma2 semaphore(%run_scoped3A : memref<!tpu.dma_semaphore, #tpu.memory_space<semaphore_mem>>) src(%dma_wait3A_47 : memref<632x128xf32, #tpu.memory_space<vmem_shared>>) dst(%dma_wait3A_45 : memref<632x128xf32, #tpu.memory_space<hbm>>)
      tpu.yield
    }) : () -> ()
    "tpu.region"() ({
      %run_scoped3A = tpu.sem_alloc : memref<!tpu.dma_semaphore, #tpu.memory_space<semaphore_mem>>
      %dma_start3A_41 = arith.constant 0 : i32
      %dma_start3A_42 = tpu.memref_slice %arg7[%add3A, %dma_start3A_41] : memref<32x10000xf32, #tpu.memory_space<hbm>> -> memref<1x10000xf32, #tpu.memory_space<hbm>>
      %dma_start3A_43 = tpu.memref_squeeze %dma_start3A_42 : memref<1x10000xf32, #tpu.memory_space<hbm>> -> memref<10000xf32, #tpu.memory_space<hbm>>
      %dma_start3A_44 = arith.constant 0 : i32
      %dma_start3A_45 = tpu.memref_slice %arg7[%add3A, %dma_start3A_44] : memref<32x10000xf32, #tpu.memory_space<hbm>> -> memref<1x10000xf32, #tpu.memory_space<hbm>>
      %dma_start3A_46 = tpu.memref_squeeze %dma_start3A_45 : memref<1x10000xf32, #tpu.memory_space<hbm>> -> memref<10000xf32, #tpu.memory_space<hbm>>
      tpu.enqueue_dma source(%arg9 : memref<10000xf32, #tpu.memory_space<vmem>>) target(%dma_start3A_46 : memref<10000xf32, #tpu.memory_space<hbm>>) target_semaphore(%run_scoped3A : memref<!tpu.dma_semaphore, #tpu.memory_space<semaphore_mem>>)
      %dma_wait3A = arith.constant 0 : i32
      %dma_wait3A_47 = tpu.memref_slice %arg7[%add3A, %dma_wait3A] : memref<32x10000xf32, #tpu.memory_space<hbm>> -> memref<1x10000xf32, #tpu.memory_space<hbm>>
      %dma_wait3A_48 = tpu.memref_squeeze %dma_wait3A_47 : memref<1x10000xf32, #tpu.memory_space<hbm>> -> memref<10000xf32, #tpu.memory_space<hbm>>
      %dma_wait3A_49 = arith.constant 0 : i32
      %dma_wait3A_50 = tpu.memref_slice %arg7[%add3A, %dma_wait3A_49] : memref<32x10000xf32, #tpu.memory_space<hbm>> -> memref<1x10000xf32, #tpu.memory_space<hbm>>
      %dma_wait3A_51 = tpu.memref_squeeze %dma_wait3A_50 : memref<1x10000xf32, #tpu.memory_space<hbm>> -> memref<10000xf32, #tpu.memory_space<hbm>>
      tpu.wait_dma2 semaphore(%run_scoped3A : memref<!tpu.dma_semaphore, #tpu.memory_space<semaphore_mem>>) src(%arg9 : memref<10000xf32, #tpu.memory_space<vmem>>) dst(%dma_wait3A_51 : memref<10000xf32, #tpu.memory_space<hbm>>)
      tpu.yield
    }) : () -> ()
    return
  }
}

#map = affine_map<(d0, d1) -> (0, 0)>
#map1 = affine_map<(d0, d1) -> (0)>
module attributes {stable_mosaic.version = 14 : i64} {
  func.func @_seg_body(%arg0: i32, %arg1: i32, %arg2: memref<10000x128xf32, #tpu.memory_space<hbm>>, %arg3: memref<320000xi32, #tpu.memory_space<hbm>>, %arg4: memref<320000xi32, #tpu.memory_space<hbm>>, %arg5: memref<632x128xf32, #tpu.memory_space<hbm>>, %arg6: memref<20224x128xf32, #tpu.memory_space<hbm>>, %arg7: memref<10112x128xf32, #tpu.memory_space<vmem_shared>>, %arg8: memref<80xi32, #tpu.memory_space<vmem>>, %arg9: memref<80xi32, #tpu.memory_space<vmem>>, %arg10: memref<80xi32, #tpu.memory_space<vmem>>, %arg11: memref<80xi32, #tpu.memory_space<vmem>>, %arg12: memref<80xi32, #tpu.memory_space<vmem>>, %arg13: memref<80xi32, #tpu.memory_space<vmem>>, %arg14: memref<80xi32, #tpu.memory_space<vmem>>, %arg15: memref<80xi32, #tpu.memory_space<vmem>>, %arg16: memref<80x128xf32, #tpu.memory_space<vmem>>, %arg17: memref<80x128xf32, #tpu.memory_space<vmem>>, %arg18: memref<80x128xf32, #tpu.memory_space<vmem>>, %arg19: memref<80x128xf32, #tpu.memory_space<vmem>>, %arg20: memref<!tpu.dma_semaphore, #tpu.memory_space<semaphore_mem>>, %arg21: memref<!tpu.dma_semaphore, #tpu.memory_space<semaphore_mem>>, %arg22: memref<!tpu.dma_semaphore, #tpu.memory_space<semaphore_mem>>, %arg23: memref<!tpu.dma_semaphore, #tpu.memory_space<semaphore_mem>>, %arg24: memref<!tpu.dma_semaphore, #tpu.memory_space<semaphore_mem>>, %arg25: memref<!tpu.dma_semaphore, #tpu.memory_space<semaphore_mem>>, %arg26: memref<!tpu.dma_semaphore, #tpu.memory_space<semaphore_mem>>, %arg27: memref<!tpu.dma_semaphore, #tpu.memory_space<semaphore_mem>>, %arg28: memref<!tpu.dma_semaphore, #tpu.memory_space<semaphore_mem>>, %arg29: memref<!tpu.dma_semaphore, #tpu.memory_space<semaphore_mem>>, %arg30: memref<!tpu.dma_semaphore, #tpu.memory_space<semaphore_mem>>, %arg31: memref<!tpu.dma_semaphore, #tpu.memory_space<semaphore_mem>>) attributes {dimension_semantics = [#tpu.dimension_semantics<core_parallel>, #tpu.dimension_semantics<subcore_parallel>], iteration_bounds = array<i64: 2, 16>, scalar_prefetch = 0 : i64, scratch_operands = 25 : i64, tpu.core_type = #tpu.core_type<sc_vector_subcore>, window_params = [{transform_indices = #map}, {transform_indices = #map1}, {transform_indices = #map1}, {transform_indices = #map}, {transform_indices = #map}]} {
    %mul3A = arith.constant 16 : i32
    %mul3A_0 = arith.muli %arg0, %mul3A : i32
    %add3A = arith.addi %mul3A_0, %arg1 : i32
    %mul3A_1 = arith.constant 632 : i32
    %mul3A_2 = arith.muli %arg1, %mul3A_1 : i32
    "tpu.region"() ({
      %run_scoped3A = tpu.sem_alloc : memref<!tpu.dma_semaphore, #tpu.memory_space<semaphore_mem>>
      %dma_start3A_29 = arith.constant 0 : i32
      %dma_start3A_30 = tpu.memref_slice %arg7[%mul3A_2, %dma_start3A_29] : memref<10112x128xf32, #tpu.memory_space<vmem_shared>> -> memref<632x128xf32, #tpu.memory_space<vmem_shared>>
      tpu.enqueue_dma source(%arg5 : memref<632x128xf32, #tpu.memory_space<hbm>>) target(%dma_start3A_30 : memref<632x128xf32, #tpu.memory_space<vmem_shared>>) target_semaphore(%run_scoped3A : memref<!tpu.dma_semaphore, #tpu.memory_space<semaphore_mem>>)
      %dma_wait3A = arith.constant 0 : i32
      %dma_wait3A_31 = tpu.memref_slice %arg7[%mul3A_2, %dma_wait3A] : memref<10112x128xf32, #tpu.memory_space<vmem_shared>> -> memref<632x128xf32, #tpu.memory_space<vmem_shared>>
      tpu.wait_dma2 semaphore(%run_scoped3A : memref<!tpu.dma_semaphore, #tpu.memory_space<semaphore_mem>>) src(%arg5 : memref<632x128xf32, #tpu.memory_space<hbm>>) dst(%dma_wait3A_31 : memref<632x128xf32, #tpu.memory_space<vmem_shared>>)
      tpu.yield
    }) : () -> ()
    %barrier3A = arith.constant 0 : index
    tpu.barrier barrier_id(%barrier3A)
    %mul3A_3 = arith.constant 10000 : i32
    %mul3A_4 = arith.muli %add3A, %mul3A_3 : i32
    %add3A_5 = arith.constant 0 : i32
    %add3A_6 = arith.addi %mul3A_4, %add3A_5 : i32
    "tpu.region"() ({
      %run_scoped3A = tpu.sem_alloc : memref<!tpu.dma_semaphore, #tpu.memory_space<semaphore_mem>>
      %dma_start3A_29 = tpu.memref_slice %arg3[%add3A_6] : memref<320000xi32, #tpu.memory_space<hbm>> -> memref<80xi32, #tpu.memory_space<hbm>>
      %dma_start3A_30 = tpu.memref_slice %arg3[%add3A_6] : memref<320000xi32, #tpu.memory_space<hbm>> -> memref<80xi32, #tpu.memory_space<hbm>>
      tpu.enqueue_dma source(%dma_start3A_30 : memref<80xi32, #tpu.memory_space<hbm>>) target(%arg8 : memref<80xi32, #tpu.memory_space<vmem>>) target_semaphore(%run_scoped3A : memref<!tpu.dma_semaphore, #tpu.memory_space<semaphore_mem>>)
      %dma_wait3A = tpu.memref_slice %arg3[%add3A_6] : memref<320000xi32, #tpu.memory_space<hbm>> -> memref<80xi32, #tpu.memory_space<hbm>>
      %dma_wait3A_31 = tpu.memref_slice %arg3[%add3A_6] : memref<320000xi32, #tpu.memory_space<hbm>> -> memref<80xi32, #tpu.memory_space<hbm>>
      tpu.wait_dma2 semaphore(%run_scoped3A : memref<!tpu.dma_semaphore, #tpu.memory_space<semaphore_mem>>) src(%dma_wait3A_31 : memref<80xi32, #tpu.memory_space<hbm>>) dst(%arg8 : memref<80xi32, #tpu.memory_space<vmem>>)
      tpu.yield
    }) : () -> ()
    "tpu.region"() ({
      %run_scoped3A = tpu.sem_alloc : memref<!tpu.dma_semaphore, #tpu.memory_space<semaphore_mem>>
      %dma_start3A_29 = tpu.memref_slice %arg4[%add3A_6] : memref<320000xi32, #tpu.memory_space<hbm>> -> memref<80xi32, #tpu.memory_space<hbm>>
      %dma_start3A_30 = tpu.memref_slice %arg4[%add3A_6] : memref<320000xi32, #tpu.memory_space<hbm>> -> memref<80xi32, #tpu.memory_space<hbm>>
      tpu.enqueue_dma source(%dma_start3A_30 : memref<80xi32, #tpu.memory_space<hbm>>) target(%arg12 : memref<80xi32, #tpu.memory_space<vmem>>) target_semaphore(%run_scoped3A : memref<!tpu.dma_semaphore, #tpu.memory_space<semaphore_mem>>)
      %dma_wait3A = tpu.memref_slice %arg4[%add3A_6] : memref<320000xi32, #tpu.memory_space<hbm>> -> memref<80xi32, #tpu.memory_space<hbm>>
      %dma_wait3A_31 = tpu.memref_slice %arg4[%add3A_6] : memref<320000xi32, #tpu.memory_space<hbm>> -> memref<80xi32, #tpu.memory_space<hbm>>
      tpu.wait_dma2 semaphore(%run_scoped3A : memref<!tpu.dma_semaphore, #tpu.memory_space<semaphore_mem>>) src(%dma_wait3A_31 : memref<80xi32, #tpu.memory_space<hbm>>) dst(%arg12 : memref<80xi32, #tpu.memory_space<vmem>>)
      tpu.yield
    }) : () -> ()
    %dma_start3A = arith.constant 0 : i32
    %dma_start3A_7 = arith.constant 0 : i32
    %dma_start3A_8 = tpu.memref_slice %arg2[%dma_start3A, %dma_start3A_7] : memref<10000x128xf32, #tpu.memory_space<hbm>> -> memref<10000x128xf32, #tpu.memory_space<hbm>>
    tpu.enqueue_indirect_dma source(%dma_start3A_8 : memref<10000x128xf32, #tpu.memory_space<hbm>>) target(%arg16 : memref<80x128xf32, #tpu.memory_space<vmem>>) offsets(%arg8 : memref<80xi32, #tpu.memory_space<vmem>>) semaphore(%arg20 : memref<!tpu.dma_semaphore, #tpu.memory_space<semaphore_mem>>)
    %mul3A_9 = arith.constant 10000 : i32
    %mul3A_10 = arith.muli %add3A, %mul3A_9 : i32
    %add3A_11 = arith.constant 80 : i32
    %add3A_12 = arith.addi %mul3A_10, %add3A_11 : i32
    %dma_start3A_13 = tpu.memref_slice %arg3[%add3A_12] : memref<320000xi32, #tpu.memory_space<hbm>> -> memref<80xi32, #tpu.memory_space<hbm>>
    %dma_start3A_14 = tpu.memref_slice %arg3[%add3A_12] : memref<320000xi32, #tpu.memory_space<hbm>> -> memref<80xi32, #tpu.memory_space<hbm>>
    tpu.enqueue_dma source(%dma_start3A_14 : memref<80xi32, #tpu.memory_space<hbm>>) target(%arg9 : memref<80xi32, #tpu.memory_space<vmem>>) target_semaphore(%arg29 : memref<!tpu.dma_semaphore, #tpu.memory_space<semaphore_mem>>)
    %dma_start3A_15 = tpu.memref_slice %arg4[%add3A_12] : memref<320000xi32, #tpu.memory_space<hbm>> -> memref<80xi32, #tpu.memory_space<hbm>>
    %dma_start3A_16 = tpu.memref_slice %arg4[%add3A_12] : memref<320000xi32, #tpu.memory_space<hbm>> -> memref<80xi32, #tpu.memory_space<hbm>>
    tpu.enqueue_dma source(%dma_start3A_16 : memref<80xi32, #tpu.memory_space<hbm>>) target(%arg13 : memref<80xi32, #tpu.memory_space<vmem>>) target_semaphore(%arg29 : memref<!tpu.dma_semaphore, #tpu.memory_space<semaphore_mem>>)
    %scan3A = arith.constant 0 : i32
    %scan3A_17 = arith.constant 0 : i32
    %scan3A_18 = arith.constant 32 : i32
    %scan3A_19 = arith.addi %scan3A_17, %scan3A_18 : i32
    %scan3A_20 = arith.constant 1 : i32
    %scan3A_21 = scf.for %scan3A_29 = %scan3A_17 to %scan3A_19 step %scan3A_20 iter_args(%scan3A_30 = %scan3A) -> (i32)  : i32 {
      %mul3A_31 = arith.constant 4 : i32
      %mul3A_32 = arith.muli %scan3A_29, %mul3A_31 : i32
      %add3A_33 = arith.constant 0 : i32
      %add3A_34 = arith.addi %mul3A_32, %add3A_33 : i32
      %ge3A = arith.constant 2 : i32
      %ge3A_35 = arith.cmpi sge, %add3A_34, %ge3A : i32
      %lt3A = arith.constant 127 : i32
      %lt3A_36 = arith.cmpi slt, %add3A_34, %lt3A : i32
      %and3A = arith.andi %ge3A_35, %lt3A_36 : i1
      %convert_element_type3A = arith.extui %and3A : i1 to i32
      %cond3A = arith.constant 0 : i32
      %cond3A_37 = arith.cmpi ne, %convert_element_type3A, %cond3A : i32
      scf.if %cond3A_37 {
        %dma_wait3A = arith.constant 0 : i32
        %dma_wait3A_95 = arith.constant 0 : i32
        %dma_wait3A_96 = tpu.memref_slice %arg7[%dma_wait3A, %dma_wait3A_95] : memref<10112x128xf32, #tpu.memory_space<vmem_shared>> -> memref<10112x128xf32, #tpu.memory_space<vmem_shared>>
        tpu.wait_indirect_dma semaphore(%arg26 : memref<!tpu.dma_semaphore, #tpu.memory_space<semaphore_mem>>) src(%arg18 : memref<80x128xf32, #tpu.memory_space<vmem>>) dst(%dma_wait3A_96 : memref<10112x128xf32, #tpu.memory_space<vmem_shared>>)
      } else {
      }
      %lt3A_38 = arith.constant 125 : i32
      %lt3A_39 = arith.cmpi slt, %add3A_34, %lt3A_38 : i32
      %convert_element_type3A_40 = arith.extui %lt3A_39 : i1 to i32
      %cond3A_41 = arith.constant 0 : i32
      %cond3A_42 = arith.cmpi ne, %convert_element_type3A_40, %cond3A_41 : i32
      scf.if %cond3A_42 {
        %add3A_95 = arith.constant 1 : i32
        %add3A_96 = arith.addi %add3A_34, %add3A_95 : i32
        %lt3A_97 = arith.constant 125 : i32
        %lt3A_98 = arith.cmpi slt, %add3A_96, %lt3A_97 : i32
        %convert_element_type3A_99 = arith.extui %lt3A_98 : i1 to i32
        %cond3A_100 = arith.constant 0 : i32
        %cond3A_101 = arith.cmpi ne, %convert_element_type3A_99, %cond3A_100 : i32
        scf.if %cond3A_101 {
          %add3A_114 = arith.constant 1 : i32
          %add3A_115 = arith.addi %add3A_34, %add3A_114 : i32
          %mul3A_116 = arith.constant 10000 : i32
          %mul3A_117 = arith.muli %add3A, %mul3A_116 : i32
          %mul3A_118 = arith.constant 80 : i32
          %mul3A_119 = arith.muli %add3A_115, %mul3A_118 : i32
          %add3A_120 = arith.addi %mul3A_117, %mul3A_119 : i32
          %dma_wait3A_121 = tpu.memref_slice %arg3[%add3A_120] : memref<320000xi32, #tpu.memory_space<hbm>> -> memref<80xi32, #tpu.memory_space<hbm>>
          %dma_wait3A_122 = tpu.memref_slice %arg3[%add3A_120] : memref<320000xi32, #tpu.memory_space<hbm>> -> memref<80xi32, #tpu.memory_space<hbm>>
          tpu.wait_dma2 semaphore(%arg29 : memref<!tpu.dma_semaphore, #tpu.memory_space<semaphore_mem>>) src(%dma_wait3A_122 : memref<80xi32, #tpu.memory_space<hbm>>) dst(%arg9 : memref<80xi32, #tpu.memory_space<vmem>>)
          %dma_wait3A_123 = tpu.memref_slice %arg4[%add3A_120] : memref<320000xi32, #tpu.memory_space<hbm>> -> memref<80xi32, #tpu.memory_space<hbm>>
          %dma_wait3A_124 = tpu.memref_slice %arg4[%add3A_120] : memref<320000xi32, #tpu.memory_space<hbm>> -> memref<80xi32, #tpu.memory_space<hbm>>
          tpu.wait_dma2 semaphore(%arg29 : memref<!tpu.dma_semaphore, #tpu.memory_space<semaphore_mem>>) src(%dma_wait3A_124 : memref<80xi32, #tpu.memory_space<hbm>>) dst(%arg13 : memref<80xi32, #tpu.memory_space<vmem>>)
          %dma_start3A_125 = arith.constant 0 : i32
          %dma_start3A_126 = arith.constant 0 : i32
          %dma_start3A_127 = tpu.memref_slice %arg2[%dma_start3A_125, %dma_start3A_126] : memref<10000x128xf32, #tpu.memory_space<hbm>> -> memref<10000x128xf32, #tpu.memory_space<hbm>>
          tpu.enqueue_indirect_dma source(%dma_start3A_127 : memref<10000x128xf32, #tpu.memory_space<hbm>>) target(%arg17 : memref<80x128xf32, #tpu.memory_space<vmem>>) offsets(%arg9 : memref<80xi32, #tpu.memory_space<vmem>>) semaphore(%arg21 : memref<!tpu.dma_semaphore, #tpu.memory_space<semaphore_mem>>)
        } else {
        }
        %add3A_102 = arith.constant 2 : i32
        %add3A_103 = arith.addi %add3A_34, %add3A_102 : i32
        %lt3A_104 = arith.constant 125 : i32
        %lt3A_105 = arith.cmpi slt, %add3A_103, %lt3A_104 : i32
        %convert_element_type3A_106 = arith.extui %lt3A_105 : i1 to i32
        %cond3A_107 = arith.constant 0 : i32
        %cond3A_108 = arith.cmpi ne, %convert_element_type3A_106, %cond3A_107 : i32
        scf.if %cond3A_108 {
          %add3A_114 = arith.constant 2 : i32
          %add3A_115 = arith.addi %add3A_34, %add3A_114 : i32
          %mul3A_116 = arith.constant 10000 : i32
          %mul3A_117 = arith.muli %add3A, %mul3A_116 : i32
          %mul3A_118 = arith.constant 80 : i32
          %mul3A_119 = arith.muli %add3A_115, %mul3A_118 : i32
          %add3A_120 = arith.addi %mul3A_117, %mul3A_119 : i32
          %dma_start3A_121 = tpu.memref_slice %arg3[%add3A_120] : memref<320000xi32, #tpu.memory_space<hbm>> -> memref<80xi32, #tpu.memory_space<hbm>>
          %dma_start3A_122 = tpu.memref_slice %arg3[%add3A_120] : memref<320000xi32, #tpu.memory_space<hbm>> -> memref<80xi32, #tpu.memory_space<hbm>>
          tpu.enqueue_dma source(%dma_start3A_122 : memref<80xi32, #tpu.memory_space<hbm>>) target(%arg10 : memref<80xi32, #tpu.memory_space<vmem>>) target_semaphore(%arg30 : memref<!tpu.dma_semaphore, #tpu.memory_space<semaphore_mem>>)
          %dma_start3A_123 = tpu.memref_slice %arg4[%add3A_120] : memref<320000xi32, #tpu.memory_space<hbm>> -> memref<80xi32, #tpu.memory_space<hbm>>
          %dma_start3A_124 = tpu.memref_slice %arg4[%add3A_120] : memref<320000xi32, #tpu.memory_space<hbm>> -> memref<80xi32, #tpu.memory_space<hbm>>
          tpu.enqueue_dma source(%dma_start3A_124 : memref<80xi32, #tpu.memory_space<hbm>>) target(%arg14 : memref<80xi32, #tpu.memory_space<vmem>>) target_semaphore(%arg30 : memref<!tpu.dma_semaphore, #tpu.memory_space<semaphore_mem>>)
        } else {
        }
        %dma_wait3A = arith.constant 0 : i32
        %dma_wait3A_109 = arith.constant 0 : i32
        %dma_wait3A_110 = tpu.memref_slice %arg2[%dma_wait3A, %dma_wait3A_109] : memref<10000x128xf32, #tpu.memory_space<hbm>> -> memref<10000x128xf32, #tpu.memory_space<hbm>>
        tpu.wait_indirect_dma semaphore(%arg20 : memref<!tpu.dma_semaphore, #tpu.memory_space<semaphore_mem>>) src(%dma_wait3A_110 : memref<10000x128xf32, #tpu.memory_space<hbm>>) dst(%arg16 : memref<80x128xf32, #tpu.memory_space<vmem>>)
        %dma_start3A_111 = arith.constant 0 : i32
        %dma_start3A_112 = arith.constant 0 : i32
        %dma_start3A_113 = tpu.memref_slice %arg7[%dma_start3A_111, %dma_start3A_112] : memref<10112x128xf32, #tpu.memory_space<vmem_shared>> -> memref<10112x128xf32, #tpu.memory_space<vmem_shared>>
        tpu.enqueue_indirect_dma source(%arg16 : memref<80x128xf32, #tpu.memory_space<vmem>>) target(%dma_start3A_113 : memref<10112x128xf32, #tpu.memory_space<vmem_shared>>) offsets(%arg12 : memref<80xi32, #tpu.memory_space<vmem>>) semaphore(%arg24 : memref<!tpu.dma_semaphore, #tpu.memory_space<semaphore_mem>>) {add = true}
      } else {
      }
      %mul3A_43 = arith.constant 4 : i32
      %mul3A_44 = arith.muli %scan3A_29, %mul3A_43 : i32
      %add3A_45 = arith.constant 1 : i32
      %add3A_46 = arith.addi %mul3A_44, %add3A_45 : i32
      %ge3A_47 = arith.constant 2 : i32
      %ge3A_48 = arith.cmpi sge, %add3A_46, %ge3A_47 : i32
      %lt3A_49 = arith.constant 127 : i32
      %lt3A_50 = arith.cmpi slt, %add3A_46, %lt3A_49 : i32
      %and3A_51 = arith.andi %ge3A_48, %lt3A_50 : i1
      %convert_element_type3A_52 = arith.extui %and3A_51 : i1 to i32
      %cond3A_53 = arith.constant 0 : i32
      %cond3A_54 = arith.cmpi ne, %convert_element_type3A_52, %cond3A_53 : i32
      scf.if %cond3A_54 {
        %dma_wait3A = arith.constant 0 : i32
        %dma_wait3A_95 = arith.constant 0 : i32
        %dma_wait3A_96 = tpu.memref_slice %arg7[%dma_wait3A, %dma_wait3A_95] : memref<10112x128xf32, #tpu.memory_space<vmem_shared>> -> memref<10112x128xf32, #tpu.memory_space<vmem_shared>>
        tpu.wait_indirect_dma semaphore(%arg27 : memref<!tpu.dma_semaphore, #tpu.memory_space<semaphore_mem>>) src(%arg19 : memref<80x128xf32, #tpu.memory_space<vmem>>) dst(%dma_wait3A_96 : memref<10112x128xf32, #tpu.memory_space<vmem_shared>>)
      } else {
      }
      %lt3A_55 = arith.constant 125 : i32
      %lt3A_56 = arith.cmpi slt, %add3A_46, %lt3A_55 : i32
      %convert_element_type3A_57 = arith.extui %lt3A_56 : i1 to i32
      %cond3A_58 = arith.constant 0 : i32
      %cond3A_59 = arith.cmpi ne, %convert_element_type3A_57, %cond3A_58 : i32
      scf.if %cond3A_59 {
        %add3A_95 = arith.constant 1 : i32
        %add3A_96 = arith.addi %add3A_46, %add3A_95 : i32
        %lt3A_97 = arith.constant 125 : i32
        %lt3A_98 = arith.cmpi slt, %add3A_96, %lt3A_97 : i32
        %convert_element_type3A_99 = arith.extui %lt3A_98 : i1 to i32
        %cond3A_100 = arith.constant 0 : i32
        %cond3A_101 = arith.cmpi ne, %convert_element_type3A_99, %cond3A_100 : i32
        scf.if %cond3A_101 {
          %add3A_114 = arith.constant 1 : i32
          %add3A_115 = arith.addi %add3A_46, %add3A_114 : i32
          %mul3A_116 = arith.constant 10000 : i32
          %mul3A_117 = arith.muli %add3A, %mul3A_116 : i32
          %mul3A_118 = arith.constant 80 : i32
          %mul3A_119 = arith.muli %add3A_115, %mul3A_118 : i32
          %add3A_120 = arith.addi %mul3A_117, %mul3A_119 : i32
          %dma_wait3A_121 = tpu.memref_slice %arg3[%add3A_120] : memref<320000xi32, #tpu.memory_space<hbm>> -> memref<80xi32, #tpu.memory_space<hbm>>
          %dma_wait3A_122 = tpu.memref_slice %arg3[%add3A_120] : memref<320000xi32, #tpu.memory_space<hbm>> -> memref<80xi32, #tpu.memory_space<hbm>>
          tpu.wait_dma2 semaphore(%arg30 : memref<!tpu.dma_semaphore, #tpu.memory_space<semaphore_mem>>) src(%dma_wait3A_122 : memref<80xi32, #tpu.memory_space<hbm>>) dst(%arg10 : memref<80xi32, #tpu.memory_space<vmem>>)
          %dma_wait3A_123 = tpu.memref_slice %arg4[%add3A_120] : memref<320000xi32, #tpu.memory_space<hbm>> -> memref<80xi32, #tpu.memory_space<hbm>>
          %dma_wait3A_124 = tpu.memref_slice %arg4[%add3A_120] : memref<320000xi32, #tpu.memory_space<hbm>> -> memref<80xi32, #tpu.memory_space<hbm>>
          tpu.wait_dma2 semaphore(%arg30 : memref<!tpu.dma_semaphore, #tpu.memory_space<semaphore_mem>>) src(%dma_wait3A_124 : memref<80xi32, #tpu.memory_space<hbm>>) dst(%arg14 : memref<80xi32, #tpu.memory_space<vmem>>)
          %dma_start3A_125 = arith.constant 0 : i32
          %dma_start3A_126 = arith.constant 0 : i32
          %dma_start3A_127 = tpu.memref_slice %arg2[%dma_start3A_125, %dma_start3A_126] : memref<10000x128xf32, #tpu.memory_space<hbm>> -> memref<10000x128xf32, #tpu.memory_space<hbm>>
          tpu.enqueue_indirect_dma source(%dma_start3A_127 : memref<10000x128xf32, #tpu.memory_space<hbm>>) target(%arg18 : memref<80x128xf32, #tpu.memory_space<vmem>>) offsets(%arg10 : memref<80xi32, #tpu.memory_space<vmem>>) semaphore(%arg22 : memref<!tpu.dma_semaphore, #tpu.memory_space<semaphore_mem>>)
        } else {
        }
        %add3A_102 = arith.constant 2 : i32
        %add3A_103 = arith.addi %add3A_46, %add3A_102 : i32
        %lt3A_104 = arith.constant 125 : i32
        %lt3A_105 = arith.cmpi slt, %add3A_103, %lt3A_104 : i32
        %convert_element_type3A_106 = arith.extui %lt3A_105 : i1 to i32
        %cond3A_107 = arith.constant 0 : i32
        %cond3A_108 = arith.cmpi ne, %convert_element_type3A_106, %cond3A_107 : i32
        scf.if %cond3A_108 {
          %add3A_114 = arith.constant 2 : i32
          %add3A_115 = arith.addi %add3A_46, %add3A_114 : i32
          %mul3A_116 = arith.constant 10000 : i32
          %mul3A_117 = arith.muli %add3A, %mul3A_116 : i32
          %mul3A_118 = arith.constant 80 : i32
          %mul3A_119 = arith.muli %add3A_115, %mul3A_118 : i32
          %add3A_120 = arith.addi %mul3A_117, %mul3A_119 : i32
          %dma_start3A_121 = tpu.memref_slice %arg3[%add3A_120] : memref<320000xi32, #tpu.memory_space<hbm>> -> memref<80xi32, #tpu.memory_space<hbm>>
          %dma_start3A_122 = tpu.memref_slice %arg3[%add3A_120] : memref<320000xi32, #tpu.memory_space<hbm>> -> memref<80xi32, #tpu.memory_space<hbm>>
          tpu.enqueue_dma source(%dma_start3A_122 : memref<80xi32, #tpu.memory_space<hbm>>) target(%arg11 : memref<80xi32, #tpu.memory_space<vmem>>) target_semaphore(%arg31 : memref<!tpu.dma_semaphore, #tpu.memory_space<semaphore_mem>>)
          %dma_start3A_123 = tpu.memref_slice %arg4[%add3A_120] : memref<320000xi32, #tpu.memory_space<hbm>> -> memref<80xi32, #tpu.memory_space<hbm>>
          %dma_start3A_124 = tpu.memref_slice %arg4[%add3A_120] : memref<320000xi32, #tpu.memory_space<hbm>> -> memref<80xi32, #tpu.memory_space<hbm>>
          tpu.enqueue_dma source(%dma_start3A_124 : memref<80xi32, #tpu.memory_space<hbm>>) target(%arg15 : memref<80xi32, #tpu.memory_space<vmem>>) target_semaphore(%arg31 : memref<!tpu.dma_semaphore, #tpu.memory_space<semaphore_mem>>)
        } else {
        }
        %dma_wait3A = arith.constant 0 : i32
        %dma_wait3A_109 = arith.constant 0 : i32
        %dma_wait3A_110 = tpu.memref_slice %arg2[%dma_wait3A, %dma_wait3A_109] : memref<10000x128xf32, #tpu.memory_space<hbm>> -> memref<10000x128xf32, #tpu.memory_space<hbm>>
        tpu.wait_indirect_dma semaphore(%arg21 : memref<!tpu.dma_semaphore, #tpu.memory_space<semaphore_mem>>) src(%dma_wait3A_110 : memref<10000x128xf32, #tpu.memory_space<hbm>>) dst(%arg17 : memref<80x128xf32, #tpu.memory_space<vmem>>)
        %dma_start3A_111 = arith.constant 0 : i32
        %dma_start3A_112 = arith.constant 0 : i32
        %dma_start3A_113 = tpu.memref_slice %arg7[%dma_start3A_111, %dma_start3A_112] : memref<10112x128xf32, #tpu.memory_space<vmem_shared>> -> memref<10112x128xf32, #tpu.memory_space<vmem_shared>>
        tpu.enqueue_indirect_dma source(%arg17 : memref<80x128xf32, #tpu.memory_space<vmem>>) target(%dma_start3A_113 : memref<10112x128xf32, #tpu.memory_space<vmem_shared>>) offsets(%arg13 : memref<80xi32, #tpu.memory_space<vmem>>) semaphore(%arg25 : memref<!tpu.dma_semaphore, #tpu.memory_space<semaphore_mem>>) {add = true}
      } else {
      }
      %mul3A_60 = arith.constant 4 : i32
      %mul3A_61 = arith.muli %scan3A_29, %mul3A_60 : i32
      %add3A_62 = arith.constant 2 : i32
      %add3A_63 = arith.addi %mul3A_61, %add3A_62 : i32
      %ge3A_64 = arith.constant 2 : i32
      %ge3A_65 = arith.cmpi sge, %add3A_63, %ge3A_64 : i32
      %lt3A_66 = arith.constant 127 : i32
      %lt3A_67 = arith.cmpi slt, %add3A_63, %lt3A_66 : i32
      %and3A_68 = arith.andi %ge3A_65, %lt3A_67 : i1
      %convert_element_type3A_69 = arith.extui %and3A_68 : i1 to i32
      %cond3A_70 = arith.constant 0 : i32
      %cond3A_71 = arith.cmpi ne, %convert_element_type3A_69, %cond3A_70 : i32
      scf.if %cond3A_71 {
        %dma_wait3A = arith.constant 0 : i32
        %dma_wait3A_95 = arith.constant 0 : i32
        %dma_wait3A_96 = tpu.memref_slice %arg7[%dma_wait3A, %dma_wait3A_95] : memref<10112x128xf32, #tpu.memory_space<vmem_shared>> -> memref<10112x128xf32, #tpu.memory_space<vmem_shared>>
        tpu.wait_indirect_dma semaphore(%arg24 : memref<!tpu.dma_semaphore, #tpu.memory_space<semaphore_mem>>) src(%arg16 : memref<80x128xf32, #tpu.memory_space<vmem>>) dst(%dma_wait3A_96 : memref<10112x128xf32, #tpu.memory_space<vmem_shared>>)
      } else {
      }
      %lt3A_72 = arith.constant 125 : i32
      %lt3A_73 = arith.cmpi slt, %add3A_63, %lt3A_72 : i32
      %convert_element_type3A_74 = arith.extui %lt3A_73 : i1 to i32
      %cond3A_75 = arith.constant 0 : i32
      %cond3A_76 = arith.cmpi ne, %convert_element_type3A_74, %cond3A_75 : i32
      scf.if %cond3A_76 {
        %add3A_95 = arith.constant 1 : i32
        %add3A_96 = arith.addi %add3A_63, %add3A_95 : i32
        %lt3A_97 = arith.constant 125 : i32
        %lt3A_98 = arith.cmpi slt, %add3A_96, %lt3A_97 : i32
        %convert_element_type3A_99 = arith.extui %lt3A_98 : i1 to i32
        %cond3A_100 = arith.constant 0 : i32
        %cond3A_101 = arith.cmpi ne, %convert_element_type3A_99, %cond3A_100 : i32
        scf.if %cond3A_101 {
          %add3A_114 = arith.constant 1 : i32
          %add3A_115 = arith.addi %add3A_63, %add3A_114 : i32
          %mul3A_116 = arith.constant 10000 : i32
          %mul3A_117 = arith.muli %add3A, %mul3A_116 : i32
          %mul3A_118 = arith.constant 80 : i32
          %mul3A_119 = arith.muli %add3A_115, %mul3A_118 : i32
          %add3A_120 = arith.addi %mul3A_117, %mul3A_119 : i32
          %dma_wait3A_121 = tpu.memref_slice %arg3[%add3A_120] : memref<320000xi32, #tpu.memory_space<hbm>> -> memref<80xi32, #tpu.memory_space<hbm>>
          %dma_wait3A_122 = tpu.memref_slice %arg3[%add3A_120] : memref<320000xi32, #tpu.memory_space<hbm>> -> memref<80xi32, #tpu.memory_space<hbm>>
          tpu.wait_dma2 semaphore(%arg31 : memref<!tpu.dma_semaphore, #tpu.memory_space<semaphore_mem>>) src(%dma_wait3A_122 : memref<80xi32, #tpu.memory_space<hbm>>) dst(%arg11 : memref<80xi32, #tpu.memory_space<vmem>>)
          %dma_wait3A_123 = tpu.memref_slice %arg4[%add3A_120] : memref<320000xi32, #tpu.memory_space<hbm>> -> memref<80xi32, #tpu.memory_space<hbm>>
          %dma_wait3A_124 = tpu.memref_slice %arg4[%add3A_120] : memref<320000xi32, #tpu.memory_space<hbm>> -> memref<80xi32, #tpu.memory_space<hbm>>
          tpu.wait_dma2 semaphore(%arg31 : memref<!tpu.dma_semaphore, #tpu.memory_space<semaphore_mem>>) src(%dma_wait3A_124 : memref<80xi32, #tpu.memory_space<hbm>>) dst(%arg15 : memref<80xi32, #tpu.memory_space<vmem>>)
          %dma_start3A_125 = arith.constant 0 : i32
          %dma_start3A_126 = arith.constant 0 : i32
          %dma_start3A_127 = tpu.memref_slice %arg2[%dma_start3A_125, %dma_start3A_126] : memref<10000x128xf32, #tpu.memory_space<hbm>> -> memref<10000x128xf32, #tpu.memory_space<hbm>>
          tpu.enqueue_indirect_dma source(%dma_start3A_127 : memref<10000x128xf32, #tpu.memory_space<hbm>>) target(%arg19 : memref<80x128xf32, #tpu.memory_space<vmem>>) offsets(%arg11 : memref<80xi32, #tpu.memory_space<vmem>>) semaphore(%arg23 : memref<!tpu.dma_semaphore, #tpu.memory_space<semaphore_mem>>)
        } else {
        }
        %add3A_102 = arith.constant 2 : i32
        %add3A_103 = arith.addi %add3A_63, %add3A_102 : i32
        %lt3A_104 = arith.constant 125 : i32
        %lt3A_105 = arith.cmpi slt, %add3A_103, %lt3A_104 : i32
        %convert_element_type3A_106 = arith.extui %lt3A_105 : i1 to i32
        %cond3A_107 = arith.constant 0 : i32
        %cond3A_108 = arith.cmpi ne, %convert_element_type3A_106, %cond3A_107 : i32
        scf.if %cond3A_108 {
          %add3A_114 = arith.constant 2 : i32
          %add3A_115 = arith.addi %add3A_63, %add3A_114 : i32
          %mul3A_116 = arith.constant 10000 : i32
          %mul3A_117 = arith.muli %add3A, %mul3A_116 : i32
          %mul3A_118 = arith.constant 80 : i32
          %mul3A_119 = arith.muli %add3A_115, %mul3A_118 : i32
          %add3A_120 = arith.addi %mul3A_117, %mul3A_119 : i32
          %dma_start3A_121 = tpu.memref_slice %arg3[%add3A_120] : memref<320000xi32, #tpu.memory_space<hbm>> -> memref<80xi32, #tpu.memory_space<hbm>>
          %dma_start3A_122 = tpu.memref_slice %arg3[%add3A_120] : memref<320000xi32, #tpu.memory_space<hbm>> -> memref<80xi32, #tpu.memory_space<hbm>>
          tpu.enqueue_dma source(%dma_start3A_122 : memref<80xi32, #tpu.memory_space<hbm>>) target(%arg8 : memref<80xi32, #tpu.memory_space<vmem>>) target_semaphore(%arg28 : memref<!tpu.dma_semaphore, #tpu.memory_space<semaphore_mem>>)
          %dma_start3A_123 = tpu.memref_slice %arg4[%add3A_120] : memref<320000xi32, #tpu.memory_space<hbm>> -> memref<80xi32, #tpu.memory_space<hbm>>
          %dma_start3A_124 = tpu.memref_slice %arg4[%add3A_120] : memref<320000xi32, #tpu.memory_space<hbm>> -> memref<80xi32, #tpu.memory_space<hbm>>
          tpu.enqueue_dma source(%dma_start3A_124 : memref<80xi32, #tpu.memory_space<hbm>>) target(%arg12 : memref<80xi32, #tpu.memory_space<vmem>>) target_semaphore(%arg28 : memref<!tpu.dma_semaphore, #tpu.memory_space<semaphore_mem>>)
        } else {
        }
        %dma_wait3A = arith.constant 0 : i32
        %dma_wait3A_109 = arith.constant 0 : i32
        %dma_wait3A_110 = tpu.memref_slice %arg2[%dma_wait3A, %dma_wait3A_109] : memref<10000x128xf32, #tpu.memory_space<hbm>> -> memref<10000x128xf32, #tpu.memory_space<hbm>>
        tpu.wait_indirect_dma semaphore(%arg22 : memref<!tpu.dma_semaphore, #tpu.memory_space<semaphore_mem>>) src(%dma_wait3A_110 : memref<10000x128xf32, #tpu.memory_space<hbm>>) dst(%arg18 : memref<80x128xf32, #tpu.memory_space<vmem>>)
        %dma_start3A_111 = arith.constant 0 : i32
        %dma_start3A_112 = arith.constant 0 : i32
        %dma_start3A_113 = tpu.memref_slice %arg7[%dma_start3A_111, %dma_start3A_112] : memref<10112x128xf32, #tpu.memory_space<vmem_shared>> -> memref<10112x128xf32, #tpu.memory_space<vmem_shared>>
        tpu.enqueue_indirect_dma source(%arg18 : memref<80x128xf32, #tpu.memory_space<vmem>>) target(%dma_start3A_113 : memref<10112x128xf32, #tpu.memory_space<vmem_shared>>) offsets(%arg14 : memref<80xi32, #tpu.memory_space<vmem>>) semaphore(%arg26 : memref<!tpu.dma_semaphore, #tpu.memory_space<semaphore_mem>>) {add = true}
      } else {
      }
      %mul3A_77 = arith.constant 4 : i32
      %mul3A_78 = arith.muli %scan3A_29, %mul3A_77 : i32
      %add3A_79 = arith.constant 3 : i32
      %add3A_80 = arith.addi %mul3A_78, %add3A_79 : i32
      %ge3A_81 = arith.constant 2 : i32
      %ge3A_82 = arith.cmpi sge, %add3A_80, %ge3A_81 : i32
      %lt3A_83 = arith.constant 127 : i32
      %lt3A_84 = arith.cmpi slt, %add3A_80, %lt3A_83 : i32
      %and3A_85 = arith.andi %ge3A_82, %lt3A_84 : i1
      %convert_element_type3A_86 = arith.extui %and3A_85 : i1 to i32
      %cond3A_87 = arith.constant 0 : i32
      %cond3A_88 = arith.cmpi ne, %convert_element_type3A_86, %cond3A_87 : i32
      scf.if %cond3A_88 {
        %dma_wait3A = arith.constant 0 : i32
        %dma_wait3A_95 = arith.constant 0 : i32
        %dma_wait3A_96 = tpu.memref_slice %arg7[%dma_wait3A, %dma_wait3A_95] : memref<10112x128xf32, #tpu.memory_space<vmem_shared>> -> memref<10112x128xf32, #tpu.memory_space<vmem_shared>>
        tpu.wait_indirect_dma semaphore(%arg25 : memref<!tpu.dma_semaphore, #tpu.memory_space<semaphore_mem>>) src(%arg17 : memref<80x128xf32, #tpu.memory_space<vmem>>) dst(%dma_wait3A_96 : memref<10112x128xf32, #tpu.memory_space<vmem_shared>>)
      } else {
      }
      %lt3A_89 = arith.constant 125 : i32
      %lt3A_90 = arith.cmpi slt, %add3A_80, %lt3A_89 : i32
      %convert_element_type3A_91 = arith.extui %lt3A_90 : i1 to i32
      %cond3A_92 = arith.constant 0 : i32
      %cond3A_93 = arith.cmpi ne, %convert_element_type3A_91, %cond3A_92 : i32
      scf.if %cond3A_93 {
        %add3A_95 = arith.constant 1 : i32
        %add3A_96 = arith.addi %add3A_80, %add3A_95 : i32
        %lt3A_97 = arith.constant 125 : i32
        %lt3A_98 = arith.cmpi slt, %add3A_96, %lt3A_97 : i32
        %convert_element_type3A_99 = arith.extui %lt3A_98 : i1 to i32
        %cond3A_100 = arith.constant 0 : i32
        %cond3A_101 = arith.cmpi ne, %convert_element_type3A_99, %cond3A_100 : i32
        scf.if %cond3A_101 {
          %add3A_114 = arith.constant 1 : i32
          %add3A_115 = arith.addi %add3A_80, %add3A_114 : i32
          %mul3A_116 = arith.constant 10000 : i32
          %mul3A_117 = arith.muli %add3A, %mul3A_116 : i32
          %mul3A_118 = arith.constant 80 : i32
          %mul3A_119 = arith.muli %add3A_115, %mul3A_118 : i32
          %add3A_120 = arith.addi %mul3A_117, %mul3A_119 : i32
          %dma_wait3A_121 = tpu.memref_slice %arg3[%add3A_120] : memref<320000xi32, #tpu.memory_space<hbm>> -> memref<80xi32, #tpu.memory_space<hbm>>
          %dma_wait3A_122 = tpu.memref_slice %arg3[%add3A_120] : memref<320000xi32, #tpu.memory_space<hbm>> -> memref<80xi32, #tpu.memory_space<hbm>>
          tpu.wait_dma2 semaphore(%arg28 : memref<!tpu.dma_semaphore, #tpu.memory_space<semaphore_mem>>) src(%dma_wait3A_122 : memref<80xi32, #tpu.memory_space<hbm>>) dst(%arg8 : memref<80xi32, #tpu.memory_space<vmem>>)
          %dma_wait3A_123 = tpu.memref_slice %arg4[%add3A_120] : memref<320000xi32, #tpu.memory_space<hbm>> -> memref<80xi32, #tpu.memory_space<hbm>>
          %dma_wait3A_124 = tpu.memref_slice %arg4[%add3A_120] : memref<320000xi32, #tpu.memory_space<hbm>> -> memref<80xi32, #tpu.memory_space<hbm>>
          tpu.wait_dma2 semaphore(%arg28 : memref<!tpu.dma_semaphore, #tpu.memory_space<semaphore_mem>>) src(%dma_wait3A_124 : memref<80xi32, #tpu.memory_space<hbm>>) dst(%arg12 : memref<80xi32, #tpu.memory_space<vmem>>)
          %dma_start3A_125 = arith.constant 0 : i32
          %dma_start3A_126 = arith.constant 0 : i32
          %dma_start3A_127 = tpu.memref_slice %arg2[%dma_start3A_125, %dma_start3A_126] : memref<10000x128xf32, #tpu.memory_space<hbm>> -> memref<10000x128xf32, #tpu.memory_space<hbm>>
          tpu.enqueue_indirect_dma source(%dma_start3A_127 : memref<10000x128xf32, #tpu.memory_space<hbm>>) target(%arg16 : memref<80x128xf32, #tpu.memory_space<vmem>>) offsets(%arg8 : memref<80xi32, #tpu.memory_space<vmem>>) semaphore(%arg20 : memref<!tpu.dma_semaphore, #tpu.memory_space<semaphore_mem>>)
        } else {
        }
        %add3A_102 = arith.constant 2 : i32
        %add3A_103 = arith.addi %add3A_80, %add3A_102 : i32
        %lt3A_104 = arith.constant 125 : i32
        %lt3A_105 = arith.cmpi slt, %add3A_103, %lt3A_104 : i32
        %convert_element_type3A_106 = arith.extui %lt3A_105 : i1 to i32
        %cond3A_107 = arith.constant 0 : i32
        %cond3A_108 = arith.cmpi ne, %convert_element_type3A_106, %cond3A_107 : i32
        scf.if %cond3A_108 {
          %add3A_114 = arith.constant 2 : i32
          %add3A_115 = arith.addi %add3A_80, %add3A_114 : i32
          %mul3A_116 = arith.constant 10000 : i32
          %mul3A_117 = arith.muli %add3A, %mul3A_116 : i32
          %mul3A_118 = arith.constant 80 : i32
          %mul3A_119 = arith.muli %add3A_115, %mul3A_118 : i32
          %add3A_120 = arith.addi %mul3A_117, %mul3A_119 : i32
          %dma_start3A_121 = tpu.memref_slice %arg3[%add3A_120] : memref<320000xi32, #tpu.memory_space<hbm>> -> memref<80xi32, #tpu.memory_space<hbm>>
          %dma_start3A_122 = tpu.memref_slice %arg3[%add3A_120] : memref<320000xi32, #tpu.memory_space<hbm>> -> memref<80xi32, #tpu.memory_space<hbm>>
          tpu.enqueue_dma source(%dma_start3A_122 : memref<80xi32, #tpu.memory_space<hbm>>) target(%arg9 : memref<80xi32, #tpu.memory_space<vmem>>) target_semaphore(%arg29 : memref<!tpu.dma_semaphore, #tpu.memory_space<semaphore_mem>>)
          %dma_start3A_123 = tpu.memref_slice %arg4[%add3A_120] : memref<320000xi32, #tpu.memory_space<hbm>> -> memref<80xi32, #tpu.memory_space<hbm>>
          %dma_start3A_124 = tpu.memref_slice %arg4[%add3A_120] : memref<320000xi32, #tpu.memory_space<hbm>> -> memref<80xi32, #tpu.memory_space<hbm>>
          tpu.enqueue_dma source(%dma_start3A_124 : memref<80xi32, #tpu.memory_space<hbm>>) target(%arg13 : memref<80xi32, #tpu.memory_space<vmem>>) target_semaphore(%arg29 : memref<!tpu.dma_semaphore, #tpu.memory_space<semaphore_mem>>)
        } else {
        }
        %dma_wait3A = arith.constant 0 : i32
        %dma_wait3A_109 = arith.constant 0 : i32
        %dma_wait3A_110 = tpu.memref_slice %arg2[%dma_wait3A, %dma_wait3A_109] : memref<10000x128xf32, #tpu.memory_space<hbm>> -> memref<10000x128xf32, #tpu.memory_space<hbm>>
        tpu.wait_indirect_dma semaphore(%arg23 : memref<!tpu.dma_semaphore, #tpu.memory_space<semaphore_mem>>) src(%dma_wait3A_110 : memref<10000x128xf32, #tpu.memory_space<hbm>>) dst(%arg19 : memref<80x128xf32, #tpu.memory_space<vmem>>)
        %dma_start3A_111 = arith.constant 0 : i32
        %dma_start3A_112 = arith.constant 0 : i32
        %dma_start3A_113 = tpu.memref_slice %arg7[%dma_start3A_111, %dma_start3A_112] : memref<10112x128xf32, #tpu.memory_space<vmem_shared>> -> memref<10112x128xf32, #tpu.memory_space<vmem_shared>>
        tpu.enqueue_indirect_dma source(%arg19 : memref<80x128xf32, #tpu.memory_space<vmem>>) target(%dma_start3A_113 : memref<10112x128xf32, #tpu.memory_space<vmem_shared>>) offsets(%arg15 : memref<80xi32, #tpu.memory_space<vmem>>) semaphore(%arg27 : memref<!tpu.dma_semaphore, #tpu.memory_space<semaphore_mem>>) {add = true}
      } else {
      }
      %scan3A_94 = arith.constant 0 : i32
      scf.yield %scan3A_94 : i32
    }
    %scan3A_22 = arith.constant 32 : i32
    %barrier3A_23 = arith.constant 0 : index
    tpu.barrier barrier_id(%barrier3A_23)
    %mul3A_24 = arith.constant 632 : i32
    %mul3A_25 = arith.muli %arg1, %mul3A_24 : i32
    %mul3A_26 = arith.constant 10112 : i32
    %mul3A_27 = arith.muli %arg0, %mul3A_26 : i32
    %add3A_28 = arith.addi %mul3A_27, %mul3A_25 : i32
    "tpu.region"() ({
      %run_scoped3A = tpu.sem_alloc : memref<!tpu.dma_semaphore, #tpu.memory_space<semaphore_mem>>
      %dma_start3A_29 = arith.constant 0 : i32
      %dma_start3A_30 = tpu.memref_slice %arg6[%add3A_28, %dma_start3A_29] : memref<20224x128xf32, #tpu.memory_space<hbm>> -> memref<632x128xf32, #tpu.memory_space<hbm>>
      %dma_start3A_31 = arith.constant 0 : i32
      %dma_start3A_32 = tpu.memref_slice %arg7[%mul3A_25, %dma_start3A_31] : memref<10112x128xf32, #tpu.memory_space<vmem_shared>> -> memref<632x128xf32, #tpu.memory_space<vmem_shared>>
      tpu.enqueue_dma source(%dma_start3A_32 : memref<632x128xf32, #tpu.memory_space<vmem_shared>>) target(%dma_start3A_30 : memref<632x128xf32, #tpu.memory_space<hbm>>) target_semaphore(%run_scoped3A : memref<!tpu.dma_semaphore, #tpu.memory_space<semaphore_mem>>)
      %dma_wait3A = arith.constant 0 : i32
      %dma_wait3A_33 = tpu.memref_slice %arg6[%add3A_28, %dma_wait3A] : memref<20224x128xf32, #tpu.memory_space<hbm>> -> memref<632x128xf32, #tpu.memory_space<hbm>>
      %dma_wait3A_34 = arith.constant 0 : i32
      %dma_wait3A_35 = tpu.memref_slice %arg7[%mul3A_25, %dma_wait3A_34] : memref<10112x128xf32, #tpu.memory_space<vmem_shared>> -> memref<632x128xf32, #tpu.memory_space<vmem_shared>>
      tpu.wait_dma2 semaphore(%run_scoped3A : memref<!tpu.dma_semaphore, #tpu.memory_space<semaphore_mem>>) src(%dma_wait3A_35 : memref<632x128xf32, #tpu.memory_space<vmem_shared>>) dst(%dma_wait3A_33 : memref<632x128xf32, #tpu.memory_space<hbm>>)
      tpu.yield
    }) : () -> ()
    return
  }
}

module attributes {stable_mosaic.version = 14 : i64} {
  func.func @_dense_body(%arg0: i32, %arg1: memref<2x400x128xf32, #tpu.memory_space<vmem>>, %arg2: memref<32x1x1x400xf32, #tpu.memory_space<vmem>>, %arg3: memref<400x128xf32, #tpu.memory_space<vmem>>, %arg4: memref<128x128xf32, #tpu.memory_space<vmem>>, %arg5: memref<128x128xf32, #tpu.memory_space<vmem>>, %arg6: memref<1x128xf32, #tpu.memory_space<vmem>>, %arg7: memref<400x128xf32, #tpu.memory_space<vmem>>) attributes {dimension_semantics = [#tpu.dimension_semantics<arbitrary>], iteration_bounds = array<i64: 25>, scalar_prefetch = 0 : i64, scratch_operands = 0 : i64, tpu.core_type = #tpu.core_type<tc>, window_params = [{transform_indices = @transform_0, window_bounds = array<i64: 2, 400, 128>}, {transform_indices = @transform_1, window_bounds = array<i64: 32, 1, 1, 400>}, {transform_indices = @transform_2, window_bounds = array<i64: 400, 128>}, {pipeline_mode = #tpu.pipeline_mode<synchronous>, transform_indices = @transform_3, window_bounds = array<i64: 128, 128>}, {pipeline_mode = #tpu.pipeline_mode<synchronous>, transform_indices = @transform_4, window_bounds = array<i64: 128, 128>}, {pipeline_mode = #tpu.pipeline_mode<synchronous>, transform_indices = @transform_5, window_bounds = array<i64: 1, 128>}, {transform_indices = @transform_6, window_bounds = array<i64: 400, 128>}]} {
    %get3A = arith.constant 0 : index
    %get3A_0 = arith.constant 0 : index
    %get3A_1 = arith.constant 0 : index
    %get3A_2 = arith.constant 0 : index
    %get3A_3 = vector.load %arg2[%get3A, %get3A_0, %get3A_1, %get3A_2] : memref<32x1x1x400xf32, #tpu.memory_space<vmem>>, vector<32x1x1x400xf32>
    %get3A_4 = vector.shape_cast %get3A_3 : vector<32x1x1x400xf32> to vector<32x400xf32>
    %reduce_sum3A = arith.constant dense<0.000000e+00> : vector<400xf32>
    %reduce_sum3A_5 = vector.multi_reduction <add>, %get3A_4, %reduce_sum3A [0] : vector<32x400xf32> to vector<400xf32>
    %broadcast_in_dim3A = vector.shape_cast %reduce_sum3A_5 : vector<400xf32> to vector<400x1xf32>
    %get3A_6 = arith.constant 0 : index
    %get3A_7 = arith.constant 0 : index
    %get3A_8 = arith.constant 0 : index
    %get3A_9 = vector.load %arg1[%get3A_6, %get3A_7, %get3A_8] : memref<2x400x128xf32, #tpu.memory_space<vmem>>, vector<1x400x128xf32>
    %get3A_10 = vector.shape_cast %get3A_9 : vector<1x400x128xf32> to vector<400x128xf32>
    %get3A_11 = arith.constant 1 : index
    %get3A_12 = arith.constant 0 : index
    %get3A_13 = arith.constant 0 : index
    %get3A_14 = vector.load %arg1[%get3A_11, %get3A_12, %get3A_13] : memref<2x400x128xf32, #tpu.memory_space<vmem>>, vector<1x400x128xf32>
    %get3A_15 = vector.shape_cast %get3A_14 : vector<1x400x128xf32> to vector<400x128xf32>
    %add3A = arith.addf %get3A_10, %get3A_15 : vector<400x128xf32>
    %max3A = arith.constant 1.000000e+00 : f32
    %max3A_16 = vector.broadcast %max3A : f32 to vector<400x1xf32>
    %max3A_17 = arith.maximumf %broadcast_in_dim3A, %max3A_16 : vector<400x1xf32>
    %div3A = vector.broadcast %max3A_17 : vector<400x1xf32> to vector<400x128xf32>
    %div3A_18 = arith.divf %add3A, %div3A : vector<400x128xf32>
    %get3A_19 = arith.constant 0 : index
    %get3A_20 = arith.constant 0 : index
    %get3A_21 = vector.load %arg4[%get3A_19, %get3A_20] : memref<128x128xf32, #tpu.memory_space<vmem>>, vector<128x128xf32>
    %dot_general3A = arith.constant dense<0.000000e+00> : vector<400x128xf32>
    %dot_general3A_22 = tpu.matmul %div3A_18, %get3A_21, %dot_general3A {dimension_numbers = #tpu.dot_dimension_numbers<[1], [0], [0], [1], [0, 0, 1, 1], [], []>, transpose_lhs_hint = false} : vector<400x128xf32>, vector<128x128xf32>, vector<400x128xf32> -> vector<400x128xf32>
    %get3A_23 = arith.constant 0 : index
    %get3A_24 = arith.constant 0 : index
    %get3A_25 = vector.load %arg3[%get3A_23, %get3A_24] : memref<400x128xf32, #tpu.memory_space<vmem>>, vector<400x128xf32>
    %get3A_26 = arith.constant 0 : index
    %get3A_27 = arith.constant 0 : index
    %get3A_28 = vector.load %arg5[%get3A_26, %get3A_27] : memref<128x128xf32, #tpu.memory_space<vmem>>, vector<128x128xf32>
    %dot_general3A_29 = arith.constant dense<0.000000e+00> : vector<400x128xf32>
    %dot_general3A_30 = tpu.matmul %get3A_25, %get3A_28, %dot_general3A_29 {dimension_numbers = #tpu.dot_dimension_numbers<[1], [0], [0], [1], [0, 0, 1, 1], [], []>, transpose_lhs_hint = false} : vector<400x128xf32>, vector<128x128xf32>, vector<400x128xf32> -> vector<400x128xf32>
    %add3A_31 = arith.addf %dot_general3A_22, %dot_general3A_30 : vector<400x128xf32>
    %get3A_32 = arith.constant 0 : index
    %get3A_33 = arith.constant 0 : index
    %get3A_34 = vector.load %arg6[%get3A_32, %get3A_33] : memref<1x128xf32, #tpu.memory_space<vmem>>, vector<1x128xf32>
    %add3A_35 = vector.broadcast %get3A_34 : vector<1x128xf32> to vector<400x128xf32>
    %add3A_36 = arith.addf %add3A_31, %add3A_35 : vector<400x128xf32>
    %max3A_37 = arith.constant 0.000000e+00 : f32
    %max3A_38 = vector.broadcast %max3A_37 : f32 to vector<400x128xf32>
    %max3A_39 = arith.maximumf %add3A_36, %max3A_38 : vector<400x128xf32>
    %swap3A = arith.constant 0 : index
    %swap3A_40 = arith.constant 0 : index
    %swap3A_41 = vector.load %arg7[%swap3A, %swap3A_40] : memref<400x128xf32, #tpu.memory_space<vmem>>, vector<400x128xf32>
    tpu.vector_store %arg7[%swap3A, %swap3A_40], %max3A_39 {strides = array<i32>} : memref<400x128xf32, #tpu.memory_space<vmem>>, vector<400x128xf32>,
    return
  }
  func.func @transform_0(%arg0: i32) -> (i32, i32, i32) {
    %c0_i32 = arith.constant 0 : i32
    %c0_i32_0 = arith.constant 0 : i32
    %c0_i32_1 = arith.constant 0 : i32
    return %c0_i32, %arg0, %c0_i32_0 : i32, i32, i32
  }
  func.func @transform_1(%arg0: i32) -> (i32, i32, i32, i32) {
    %c0_i32 = arith.constant 0 : i32
    %c0_i32_0 = arith.constant 0 : i32
    %c0_i32_1 = arith.constant 0 : i32
    %c0_i32_2 = arith.constant 0 : i32
    return %c0_i32, %arg0, %c0_i32_0, %c0_i32_1 : i32, i32, i32, i32
  }
  func.func @transform_2(%arg0: i32) -> (i32, i32) {
    %c0_i32 = arith.constant 0 : i32
    %c0_i32_0 = arith.constant 0 : i32
    return %arg0, %c0_i32 : i32, i32
  }
  func.func @transform_3(%arg0: i32) -> (i32, i32) {
    %c0_i32 = arith.constant 0 : i32
    %c0_i32_0 = arith.constant 0 : i32
    %c0_i32_1 = arith.constant 0 : i32
    return %c0_i32, %c0_i32_0 : i32, i32
  }
  func.func @transform_4(%arg0: i32) -> (i32, i32) {
    %c0_i32 = arith.constant 0 : i32
    %c0_i32_0 = arith.constant 0 : i32
    %c0_i32_1 = arith.constant 0 : i32
    return %c0_i32, %c0_i32_0 : i32, i32
  }
  func.func @transform_5(%arg0: i32) -> (i32, i32) {
    %c0_i32 = arith.constant 0 : i32
    %c0_i32_0 = arith.constant 0 : i32
    %c0_i32_1 = arith.constant 0 : i32
    return %c0_i32, %c0_i32_0 : i32, i32
  }
  func.func @transform_6(%arg0: i32) -> (i32, i32) {
    %c0_i32 = arith.constant 0 : i32
    %c0_i32_0 = arith.constant 0 : i32
    return %arg0, %c0_i32 : i32, i32
  }
}

module attributes {stable_mosaic.version = 14 : i64} {
  func.func @_final_body(%arg0: i32, %arg1: memref<2x400x128xf32, #tpu.memory_space<vmem>>, %arg2: memref<32x1x1x400xf32, #tpu.memory_space<vmem>>, %arg3: memref<400x128xf32, #tpu.memory_space<vmem>>, %arg4: memref<1x1x400xi32, #tpu.memory_space<vmem>>, %arg5: memref<128x128xf32, #tpu.memory_space<vmem>>, %arg6: memref<128x128xf32, #tpu.memory_space<vmem>>, %arg7: memref<1x128xf32, #tpu.memory_space<vmem>>, %arg8: memref<128x10xf32, #tpu.memory_space<vmem>>, %arg9: memref<1x10xf32, #tpu.memory_space<vmem>>, %arg10: memref<64x10xf32, #tpu.memory_space<vmem>>, %arg11: memref<64x128xf32, #tpu.memory_space<vmem>>, %arg12: memref<64x128xf32, #tpu.memory_space<vmem>>) attributes {dimension_semantics = [#tpu.dimension_semantics<arbitrary>], iteration_bounds = array<i64: 25>, scalar_prefetch = 0 : i64, scratch_operands = 2 : i64, tpu.core_type = #tpu.core_type<tc>, window_params = [{transform_indices = @transform_0, window_bounds = array<i64: 2, 400, 128>}, {transform_indices = @transform_1, window_bounds = array<i64: 32, 1, 1, 400>}, {transform_indices = @transform_2, window_bounds = array<i64: 400, 128>}, {transform_indices = @transform_3, window_bounds = array<i64: 1, 1, 400>}, {pipeline_mode = #tpu.pipeline_mode<synchronous>, transform_indices = @transform_4, window_bounds = array<i64: 128, 128>}, {pipeline_mode = #tpu.pipeline_mode<synchronous>, transform_indices = @transform_5, window_bounds = array<i64: 128, 128>}, {pipeline_mode = #tpu.pipeline_mode<synchronous>, transform_indices = @transform_6, window_bounds = array<i64: 1, 128>}, {pipeline_mode = #tpu.pipeline_mode<synchronous>, transform_indices = @transform_7, window_bounds = array<i64: 128, 10>}, {pipeline_mode = #tpu.pipeline_mode<synchronous>, transform_indices = @transform_8, window_bounds = array<i64: 1, 10>}, {pipeline_mode = #tpu.pipeline_mode<synchronous>, transform_indices = @transform_9, window_bounds = array<i64: 64, 10>}]} {
    %eq3A = arith.constant 0 : i32
    %eq3A_0 = arith.cmpi eq, %arg0, %eq3A : i32
    %convert_element_type3A = arith.extui %eq3A_0 : i1 to i32
    %cond3A = arith.constant 0 : i32
    %cond3A_1 = arith.cmpi ne, %convert_element_type3A, %cond3A : i32
    scf.if %cond3A_1 {
      %broadcast_in_dim3A_76 = arith.constant 0.000000e+00 : f32
      %broadcast_in_dim3A_77 = vector.broadcast %broadcast_in_dim3A_76 : f32 to vector<64x128xf32>
      %swap3A_78 = arith.constant 0 : index
      %swap3A_79 = arith.constant 0 : index
      %swap3A_80 = vector.load %arg11[%swap3A_78, %swap3A_79] : memref<64x128xf32, #tpu.memory_space<vmem>>, vector<64x128xf32>
      tpu.vector_store %arg11[%swap3A_78, %swap3A_79], %broadcast_in_dim3A_77 {strides = array<i32>} : memref<64x128xf32, #tpu.memory_space<vmem>>, vector<64x128xf32>,
      %broadcast_in_dim3A_81 = arith.constant 0.000000e+00 : f32
      %broadcast_in_dim3A_82 = vector.broadcast %broadcast_in_dim3A_81 : f32 to vector<64x128xf32>
      %swap3A_83 = arith.constant 0 : index
      %swap3A_84 = arith.constant 0 : index
      %swap3A_85 = vector.load %arg12[%swap3A_83, %swap3A_84] : memref<64x128xf32, #tpu.memory_space<vmem>>, vector<64x128xf32>
      tpu.vector_store %arg12[%swap3A_83, %swap3A_84], %broadcast_in_dim3A_82 {strides = array<i32>} : memref<64x128xf32, #tpu.memory_space<vmem>>, vector<64x128xf32>,
    } else {
    }
    %get3A = arith.constant 0 : index
    %get3A_2 = arith.constant 0 : index
    %get3A_3 = arith.constant 0 : index
    %get3A_4 = arith.constant 0 : index
    %get3A_5 = vector.load %arg2[%get3A, %get3A_2, %get3A_3, %get3A_4] : memref<32x1x1x400xf32, #tpu.memory_space<vmem>>, vector<32x1x1x400xf32>
    %get3A_6 = vector.shape_cast %get3A_5 : vector<32x1x1x400xf32> to vector<32x400xf32>
    %reduce_sum3A = arith.constant dense<0.000000e+00> : vector<400xf32>
    %reduce_sum3A_7 = vector.multi_reduction <add>, %get3A_6, %reduce_sum3A [0] : vector<32x400xf32> to vector<400xf32>
    %broadcast_in_dim3A = vector.shape_cast %reduce_sum3A_7 : vector<400xf32> to vector<400x1xf32>
    %get3A_8 = arith.constant 0 : index
    %get3A_9 = arith.constant 0 : index
    %get3A_10 = arith.constant 0 : index
    %get3A_11 = vector.load %arg1[%get3A_8, %get3A_9, %get3A_10] : memref<2x400x128xf32, #tpu.memory_space<vmem>>, vector<1x400x128xf32>
    %get3A_12 = vector.shape_cast %get3A_11 : vector<1x400x128xf32> to vector<400x128xf32>
    %get3A_13 = arith.constant 1 : index
    %get3A_14 = arith.constant 0 : index
    %get3A_15 = arith.constant 0 : index
    %get3A_16 = vector.load %arg1[%get3A_13, %get3A_14, %get3A_15] : memref<2x400x128xf32, #tpu.memory_space<vmem>>, vector<1x400x128xf32>
    %get3A_17 = vector.shape_cast %get3A_16 : vector<1x400x128xf32> to vector<400x128xf32>
    %add3A = arith.addf %get3A_12, %get3A_17 : vector<400x128xf32>
    %max3A = arith.constant 1.000000e+00 : f32
    %max3A_18 = vector.broadcast %max3A : f32 to vector<400x1xf32>
    %max3A_19 = arith.maximumf %broadcast_in_dim3A, %max3A_18 : vector<400x1xf32>
    %div3A = vector.broadcast %max3A_19 : vector<400x1xf32> to vector<400x128xf32>
    %div3A_20 = arith.divf %add3A, %div3A : vector<400x128xf32>
    %get3A_21 = arith.constant 0 : index
    %get3A_22 = arith.constant 0 : index
    %get3A_23 = vector.load %arg5[%get3A_21, %get3A_22] : memref<128x128xf32, #tpu.memory_space<vmem>>, vector<128x128xf32>
    %dot_general3A = arith.constant dense<0.000000e+00> : vector<400x128xf32>
    %dot_general3A_24 = tpu.matmul %div3A_20, %get3A_23, %dot_general3A {dimension_numbers = #tpu.dot_dimension_numbers<[1], [0], [0], [1], [0, 0, 1, 1], [], []>, transpose_lhs_hint = false} : vector<400x128xf32>, vector<128x128xf32>, vector<400x128xf32> -> vector<400x128xf32>
    %get3A_25 = arith.constant 0 : index
    %get3A_26 = arith.constant 0 : index
    %get3A_27 = vector.load %arg3[%get3A_25, %get3A_26] : memref<400x128xf32, #tpu.memory_space<vmem>>, vector<400x128xf32>
    %get3A_28 = arith.constant 0 : index
    %get3A_29 = arith.constant 0 : index
    %get3A_30 = vector.load %arg6[%get3A_28, %get3A_29] : memref<128x128xf32, #tpu.memory_space<vmem>>, vector<128x128xf32>
    %dot_general3A_31 = arith.constant dense<0.000000e+00> : vector<400x128xf32>
    %dot_general3A_32 = tpu.matmul %get3A_27, %get3A_30, %dot_general3A_31 {dimension_numbers = #tpu.dot_dimension_numbers<[1], [0], [0], [1], [0, 0, 1, 1], [], []>, transpose_lhs_hint = false} : vector<400x128xf32>, vector<128x128xf32>, vector<400x128xf32> -> vector<400x128xf32>
    %add3A_33 = arith.addf %dot_general3A_24, %dot_general3A_32 : vector<400x128xf32>
    %get3A_34 = arith.constant 0 : index
    %get3A_35 = arith.constant 0 : index
    %get3A_36 = vector.load %arg7[%get3A_34, %get3A_35] : memref<1x128xf32, #tpu.memory_space<vmem>>, vector<1x128xf32>
    %add3A_37 = vector.broadcast %get3A_36 : vector<1x128xf32> to vector<400x128xf32>
    %add3A_38 = arith.addf %add3A_33, %add3A_37 : vector<400x128xf32>
    %max3A_39 = arith.constant 0.000000e+00 : f32
    %max3A_40 = vector.broadcast %max3A_39 : f32 to vector<400x128xf32>
    %max3A_41 = arith.maximumf %add3A_38, %max3A_40 : vector<400x128xf32>
    %get3A_42 = arith.constant 0 : index
    %get3A_43 = arith.constant 0 : index
    %get3A_44 = arith.constant 0 : index
    %get3A_45 = vector.load %arg4[%get3A_42, %get3A_43, %get3A_44] : memref<1x1x400xi32, #tpu.memory_space<vmem>>, vector<1x1x400xi32>
    %get3A_46 = vector.shape_cast %get3A_45 : vector<1x1x400xi32> to vector<400xi32>
    %iota3A = tpu.iota {dimensions = array<i32: 0>} : vector<64x400xi32>
    %broadcast_in_dim3A_47 = vector.shape_cast %get3A_46 : vector<400xi32> to vector<1x400xi32>
    %eq3A_48 = vector.broadcast %broadcast_in_dim3A_47 : vector<1x400xi32> to vector<64x400xi32>
    %eq3A_49 = arith.cmpi eq, %iota3A, %eq3A_48 : vector<64x400xi32>
    %convert_element_type3A_50 = arith.extui %eq3A_49 : vector<64x400xi1> to vector<64x400xi32>
    %convert_element_type3A_51 = arith.sitofp %convert_element_type3A_50 : vector<64x400xi32> to vector<64x400xf32>
    %get3A_52 = arith.constant 0 : index
    %get3A_53 = arith.constant 0 : index
    %get3A_54 = vector.load %arg11[%get3A_52, %get3A_53] : memref<64x128xf32, #tpu.memory_space<vmem>>, vector<64x128xf32>
    %dot_general3A_55 = arith.constant dense<0.000000e+00> : vector<64x128xf32>
    %dot_general3A_56 = tpu.matmul %convert_element_type3A_51, %max3A_41, %dot_general3A_55 {dimension_numbers = #tpu.dot_dimension_numbers<[1], [0], [0], [1], [0, 0, 1, 1], [], []>, transpose_lhs_hint = false} : vector<64x400xf32>, vector<400x128xf32>, vector<64x128xf32> -> vector<64x128xf32>
    %add3A_57 = arith.addf %get3A_54, %dot_general3A_56 : vector<64x128xf32>
    %swap3A = arith.constant 0 : index
    %swap3A_58 = arith.constant 0 : index
    %swap3A_59 = vector.load %arg11[%swap3A, %swap3A_58] : memref<64x128xf32, #tpu.memory_space<vmem>>, vector<64x128xf32>
    tpu.vector_store %arg11[%swap3A, %swap3A_58], %add3A_57 {strides = array<i32>} : memref<64x128xf32, #tpu.memory_space<vmem>>, vector<64x128xf32>,
    %get3A_60 = arith.constant 0 : index
    %get3A_61 = arith.constant 0 : index
    %get3A_62 = vector.load %arg12[%get3A_60, %get3A_61] : memref<64x128xf32, #tpu.memory_space<vmem>>, vector<64x128xf32>
    %broadcast_in_dim3A_63 = arith.constant 1.000000e+00 : f32
    %broadcast_in_dim3A_64 = vector.broadcast %broadcast_in_dim3A_63 : f32 to vector<400x128xf32>
    %dot_general3A_65 = arith.constant dense<0.000000e+00> : vector<64x128xf32>
    %dot_general3A_66 = tpu.matmul %convert_element_type3A_51, %broadcast_in_dim3A_64, %dot_general3A_65 {dimension_numbers = #tpu.dot_dimension_numbers<[1], [0], [0], [1], [0, 0, 1, 1], [], []>, transpose_lhs_hint = false} : vector<64x400xf32>, vector<400x128xf32>, vector<64x128xf32> -> vector<64x128xf32>
    %add3A_67 = arith.addf %get3A_62, %dot_general3A_66 : vector<64x128xf32>
    %swap3A_68 = arith.constant 0 : index
    %swap3A_69 = arith.constant 0 : index
    %swap3A_70 = vector.load %arg12[%swap3A_68, %swap3A_69] : memref<64x128xf32, #tpu.memory_space<vmem>>, vector<64x128xf32>
    tpu.vector_store %arg12[%swap3A_68, %swap3A_69], %add3A_67 {strides = array<i32>} : memref<64x128xf32, #tpu.memory_space<vmem>>, vector<64x128xf32>,
    %eq3A_71 = arith.constant 24 : i32
    %eq3A_72 = arith.cmpi eq, %arg0, %eq3A_71 : i32
    %convert_element_type3A_73 = arith.extui %eq3A_72 : i1 to i32
    %cond3A_74 = arith.constant 0 : i32
    %cond3A_75 = arith.cmpi ne, %convert_element_type3A_73, %cond3A_74 : i32
    scf.if %cond3A_75 {
      %get3A_76 = arith.constant 0 : index
      %get3A_77 = arith.constant 0 : index
      %get3A_78 = vector.load %arg11[%get3A_76, %get3A_77] : memref<64x128xf32, #tpu.memory_space<vmem>>, vector<64x128xf32>
      %get3A_79 = arith.constant 0 : index
      %get3A_80 = arith.constant 0 : index
      %get3A_81 = vector.load %arg12[%get3A_79, %get3A_80] : memref<64x128xf32, #tpu.memory_space<vmem>>, vector<64x128xf32>
      %max3A_82 = arith.constant 1.000000e+00 : f32
      %max3A_83 = vector.broadcast %max3A_82 : f32 to vector<64x128xf32>
      %max3A_84 = arith.maximumf %get3A_81, %max3A_83 : vector<64x128xf32>
      %div3A_85 = arith.divf %get3A_78, %max3A_84 : vector<64x128xf32>
      %get3A_86 = arith.constant 0 : index
      %get3A_87 = arith.constant 0 : index
      %get3A_88 = vector.load %arg8[%get3A_86, %get3A_87] : memref<128x10xf32, #tpu.memory_space<vmem>>, vector<128x10xf32>
      %dot_general3A_89 = arith.constant dense<0.000000e+00> : vector<64x10xf32>
      %dot_general3A_90 = tpu.matmul %div3A_85, %get3A_88, %dot_general3A_89 {dimension_numbers = #tpu.dot_dimension_numbers<[1], [0], [0], [1], [0, 0, 1, 1], [], []>, transpose_lhs_hint = false} : vector<64x128xf32>, vector<128x10xf32>, vector<64x10xf32> -> vector<64x10xf32>
      %get3A_91 = arith.constant 0 : index
      %get3A_92 = arith.constant 0 : index
      %get3A_93 = vector.load %arg9[%get3A_91, %get3A_92] : memref<1x10xf32, #tpu.memory_space<vmem>>, vector<1x10xf32>
      %add3A_94 = vector.broadcast %get3A_93 : vector<1x10xf32> to vector<64x10xf32>
      %add3A_95 = arith.addf %dot_general3A_90, %add3A_94 : vector<64x10xf32>
      %swap3A_96 = arith.constant 0 : index
      %swap3A_97 = arith.constant 0 : index
      %swap3A_98 = vector.load %arg10[%swap3A_96, %swap3A_97] : memref<64x10xf32, #tpu.memory_space<vmem>>, vector<64x10xf32>
      tpu.vector_store %arg10[%swap3A_96, %swap3A_97], %add3A_95 {strides = array<i32>} : memref<64x10xf32, #tpu.memory_space<vmem>>, vector<64x10xf32>,
    } else {
    }
    return
  }
  func.func @transform_0(%arg0: i32) -> (i32, i32, i32) {
    %c0_i32 = arith.constant 0 : i32
    %c0_i32_0 = arith.constant 0 : i32
    %c0_i32_1 = arith.constant 0 : i32
    return %c0_i32, %arg0, %c0_i32_0 : i32, i32, i32
  }
  func.func @transform_1(%arg0: i32) -> (i32, i32, i32, i32) {
    %c0_i32 = arith.constant 0 : i32
    %c0_i32_0 = arith.constant 0 : i32
    %c0_i32_1 = arith.constant 0 : i32
    %c0_i32_2 = arith.constant 0 : i32
    return %c0_i32, %arg0, %c0_i32_0, %c0_i32_1 : i32, i32, i32, i32
  }
  func.func @transform_2(%arg0: i32) -> (i32, i32) {
    %c0_i32 = arith.constant 0 : i32
    %c0_i32_0 = arith.constant 0 : i32
    return %arg0, %c0_i32 : i32, i32
  }
  func.func @transform_3(%arg0: i32) -> (i32, i32, i32) {
    %c0_i32 = arith.constant 0 : i32
    %c0_i32_0 = arith.constant 0 : i32
    %c0_i32_1 = arith.constant 0 : i32
    return %arg0, %c0_i32, %c0_i32_0 : i32, i32, i32
  }
  func.func @transform_4(%arg0: i32) -> (i32, i32) {
    %c0_i32 = arith.constant 0 : i32
    %c0_i32_0 = arith.constant 0 : i32
    %c0_i32_1 = arith.constant 0 : i32
    return %c0_i32, %c0_i32_0 : i32, i32
  }
  func.func @transform_5(%arg0: i32) -> (i32, i32) {
    %c0_i32 = arith.constant 0 : i32
    %c0_i32_0 = arith.constant 0 : i32
    %c0_i32_1 = arith.constant 0 : i32
    return %c0_i32, %c0_i32_0 : i32, i32
  }
  func.func @transform_6(%arg0: i32) -> (i32, i32) {
    %c0_i32 = arith.constant 0 : i32
    %c0_i32_0 = arith.constant 0 : i32
    %c0_i32_1 = arith.constant 0 : i32
    return %c0_i32, %c0_i32_0 : i32, i32
  }
  func.func @transform_7(%arg0: i32) -> (i32, i32) {
    %c0_i32 = arith.constant 0 : i32
    %c0_i32_0 = arith.constant 0 : i32
    %c0_i32_1 = arith.constant 0 : i32
    return %c0_i32, %c0_i32_0 : i32, i32
  }
  func.func @transform_8(%arg0: i32) -> (i32, i32) {
    %c0_i32 = arith.constant 0 : i32
    %c0_i32_0 = arith.constant 0 : i32
    %c0_i32_1 = arith.constant 0 : i32
    return %c0_i32, %c0_i32_0 : i32, i32
  }
  func.func @transform_9(%arg0: i32) -> (i32, i32) {
    %c0_i32 = arith.constant 0 : i32
    %c0_i32_0 = arith.constant 0 : i32
    %c0_i32_1 = arith.constant 0 : i32
    return %c0_i32, %c0_i32_0 : i32, i32
  }
}

</mosaic_0001>

<sc_bundles>
// kernel: kernel.6.cloned.1.call-start
scs
__scs_entry_jumppad:
0x0: {  	(pc) =	sbr.rel $0x88, $3  }
0x1: {  	(tag) =	ssettag $0x0;
	lr =	simm.s32 $0x1  }
0x2: {  	[smem:$0x3F96] =	sst lr;
	_ =	strace $0xD0000000  }
0x3: {  	_ = 	snop  }
0x4: {  	_ = 	snop  }
0x5: {  	_ = 	snop  }
0x6: {  	_ = 	snop  }
0x7: {  	_ = 	snop  }
__scs_overlays_trampoline_lowered:
0x8: {  	[smem:$0x3FA5] =	sst s0  }
0x9: {  	[smem:$0x3FA6] =	sst s1  }
0xa: {  	[smem:$0x3FA7] =	sst s2  }
0xb: {  	[smem:$0x3FA8] =	sst s3  }
0xc: {  	[smem:$0x3FA9] =	sst s4  }
0xd: {  	[smem:$0x3FAA] =	sst s5  }
0xe: {  	[smem:$0x3FAB] =	sst s6  }
0xf: {  	[smem:$0x3FAC] =	sst s7  }
0x10: {  	[smem:$0x3FAD] =	sst s8  }
0x11: {  	[smem:$0x3FAE] =	sst s9;
	s0 =	simm.s32 @!p0 $0x0  }
0x12: {  	s1 =	sld [smem:$0x3F94];
	s0 =	simm.s32 @p0 $0x1  }
0x13: {  	[smem:$0x3FAF] =	sst s0;
	s0 =	simm.s32 @!p1 $0x0  }
0x14: {  	s2 =	sld [smem:$0x3F93];
	s0 =	simm.s32 @p1 $0x1  }
0x15: {  	[smem:$0x3FB0] =	sst s0;
	s0 =	simm.s32 @!p2 $0x0  }
0x16: {  	s3 =	sld [smem:$0x3FDB];
	s0 =	simm.s32 @p2 $0x1  }
0x17: {  	s4 =	simm.s32 $0x1BF5;
	[smem:$0x3FB2] =	sst s0  }
0x18: {  	s0 =	sld [smem:$0x3F95];
	_ =	swait.ge [sflag:s4], $0x0  }
0x19: {  	s7 =	sld [smem:$0x3F96]  }
0x1a: {  	s8 =	sadd.s32 $0xFFFFE003, lr  }
0x1b: {  	s9 =	sadd.s32 $0xFFFFFEF7, lr;
	s5 =	simm.s32 $0xFFFFFFFF;
	p2 =	slt.u32 s8, $0xFFFFF086  }
0x1c: {  	p1 =	slt.u32 s9, $0xF7A;
	s5 =	simm.s32 @!p2 $0x0  }
0x1d: {  	s5 =	simm.s32 @p1 $0x1;
	p0 =	seq.s32 s7, s2  }
0x1e: {  	s7 =	smul.u32 @!p0 $0xF7A, s2;
	p2 =	seq.s32 @!p0 s5, $0x0  }
0x1f: {  	s9 =	smul.u32 $0xF7A, s1;
	s8 =	simm.s32 @!p0 $0x1BF5;
	p2 =	por !p2, p0  }
0x20: {  	[sflag:s8] =	ssyncset.s32 @!p0 $0xFFFFF086;
	s6 =	sadd.s32 @!p0 s3, s7;
	s7 =	simm.s32 @!p0 $0x108  }
0x21: {  	s3 =	sadd.s32 s3, s9;
	s6 =	sadd.s32 @!p0 $0x88, s6;
	s7 =	simm.s32 @p2 $0x1082  }
0x22: {  	[simem:s7], [sflag:s8] =	dma.local @!p0 [hbm:s6], $0xF7A  }
0x23: {  	s9 =	sor.u32 $0xD0000000, s2;
	s6 =	simm.s32 $0x108;
	_ =	swait.ge @!p0 [sflag:s8], $0x0  }
0x24: {  	s3 =	sadd.s32 $0x88, s3;
	s6 =	simm.s32 @!p1 $0x1082;
	[sflag:s4] =	ssyncset.s32 $0xFFFFF086  }
0x25: {  	[simem:s6], [sflag:s4] =	dma.local [hbm:s3], $0xF7A  }
0x26: {  	[smem:$0x3F96] =	sst s1;
	(tag) =	ssettag s2;
	_ =	strace s9  }
0x27: {  	s1 =	sld [smem:$0x3FA6]  }
0x28: {  	s2 =	sld [smem:$0x3FA7]  }
0x29: {  	s4 =	sld [smem:$0x3FA9]  }
0x2a: {  	p0 =	seq.s32 s5, $0x0;
	s5 =	sld [smem:$0x3FAA]  }
0x2b: {  	s6 =	sld [smem:$0x3FAB]  }
0x2c: {  	s7 =	sld [smem:$0x3FAC]  }
0x2d: {  	s3 =	simm.s32 $0x108;
	s8 =	sld [smem:$0x3FAD]  }
0x2e: {  	s3 =	simm.s32 @!p0 $0x1082;
	s9 =	sld [smem:$0x3FAE]  }
0x2f: {  	lr =	sadd.s32 s0, s3;
	s0 =	sld [smem:$0x3FA5]  }
0x30: {  	s3 =	sld [smem:$0x3FA8]  }
0x31: {  	[smem:$0x3FB1] =	sst s10  }
0x32: {  	s10 =	sld [smem:$0x3FAF];
	_ =	sdelay $0x3  }
0x33: {  	p0 =	seq.s32 s10, $0x1;
	s10 =	sld [smem:$0x3FB1];
	_ =	sdelay $0x3  }
0x34: {  	[smem:$0x3FB1] =	sst s10  }
0x35: {  	s10 =	sld [smem:$0x3FB0];
	_ =	sdelay $0x3  }
0x36: {  	p1 =	seq.s32 s10, $0x1;
	s10 =	sld [smem:$0x3FB1];
	_ =	sdelay $0x3  }
0x37: {  	[smem:$0x3FB1] =	sst s10  }
0x38: {  	s10 =	sld [smem:$0x3FB2]  }
0x39: {  	_ = 	snop;
	(pc) =	sbr.ind lr, $3  }
0x3a: {  	_ = 	snop  }
0x3b: {  	_ = 	snop  }
0x3c: {  	p2 =	seq.s32 s10, $0x1;
	s10 =	sld [smem:$0x3FB1]  }
0x3d: {  	_ =	shalt  }
0x3e: {  	_ =	shalt  }
0x3f: {  	_ =	shalt  }
0x40: {  	_ =	shalt  }
0x41: {  	_ =	shalt  }
0x42: {  	_ =	shalt  }
0x43: {  	_ =	shalt  }
0x44: {  	_ =	shalt  }
0x45: {  	_ =	shalt  }
0x46: {  	_ =	shalt  }
0x47: {  	_ =	shalt  }
0x48: {  	_ =	shalt  }
0x49: {  	_ =	shalt  }
0x4a: {  	_ =	shalt  }
0x4b: {  	_ =	shalt  }
0x4c: {  	_ =	shalt  }
0x4d: {  	_ =	shalt  }
0x4e: {  	_ =	shalt  }
0x4f: {  	_ =	shalt  }
0x50: {  	_ =	shalt  }
0x51: {  	_ =	shalt  }
0x52: {  	_ =	shalt  }
0x53: {  	_ =	shalt  }
0x54: {  	_ =	shalt  }
0x55: {  	_ =	shalt  }
0x56: {  	_ =	shalt  }
0x57: {  	_ =	shalt  }
0x58: {  	_ =	shalt  }
0x59: {  	_ =	shalt  }
0x5a: {  	_ =	shalt  }
0x5b: {  	_ =	shalt  }
0x5c: {  	_ =	shalt  }
0x5d: {  	_ =	shalt  }
0x5e: {  	_ =	shalt  }
0x5f: {  	_ =	shalt  }
0x60: {  	_ =	shalt  }
0x61: {  	_ =	shalt  }
0x62: {  	_ =	shalt  }
0x63: {  	_ =	shalt  }
0x64: {  	_ =	shalt  }
0x65: {  	_ =	shalt  }
0x66: {  	_ =	shalt  }
0x67: {  	_ =	shalt  }
0x68: {  	_ =	shalt  }
0x69: {  	_ =	shalt  }
0x6a: {  	_ =	shalt  }
0x6b: {  	_ =	shalt  }
0x6c: {  	_ =	shalt  }
0x6d: {  	_ =	shalt  }
0x6e: {  	_ =	shalt  }
0x6f: {  	_ =	shalt  }
0x70: {  	_ =	shalt  }
0x71: {  	_ =	shalt  }
0x72: {  	_ =	shalt  }
0x73: {  	_ =	shalt  }
0x74: {  	_ =	shalt  }
0x75: {  	_ =	shalt  }
0x76: {  	_ =	shalt  }
0x77: {  	_ =	shalt  }
0x78: {  	_ =	shalt  }
0x79: {  	_ =	shalt  }
0x7a: {  	_ =	shalt  }
0x7b: {  	_ =	shalt  }
0x7c: {  	_ =	shalt  }
0x7d: {  	_ =	shalt  }
0x7e: {  	_ =	shalt  }
0x7f: {  	_ =	shalt  }
0x80: {  	_ =	shalt  }
0x81: {  	_ =	shalt  }
0x82: {  	_ =	shalt  }
0x83: {  	_ =	shalt  }
0x84: {  	_ =	shalt  }
0x85: {  	_ =	shalt  }
0x86: {  	_ =	shalt  }
0x87: {  	_ =	shalt  }
.Lfunc_end0:
.L_simem_size_0:
called_computation_lowered:
.L_overlay_start_0:
0x88: {  	s2 =	sld [smem:$0x3FD9]  }
0x89: {  	s3 =	sld [smem:$0x3FFE];
	_ =	sdelay $0x1  }
0x8a: {  	s1 =	srdreg.scid  }
0x8b: {  	s0 =	sand.u32 $0x1, s1  }
0x8c: {  	s17 =	sshll.u32 s0, $0xA;
	s2 =	sadd.s32 s3, s2  }
0x8d: {  	s2 =	sadd.s32 s2, s17  }
0x8e: {  	[smem:$0x3FBD] =	sst s2  }
0x8f: {  	_ = 	snop  }
0x90: {  	s2 =	sld [smem:$0x3FC9];
	(tm) =	ssettm $0x1  }
0x91: {  	s18 =	sld [smem:$0x3FFB];
	_ =	sdelay $0x3  }
0x92: {  	_ =	strace s18  }
0x93: {  	s3 =	sld [smem:$0x3FFC];
	_ =	sdelay $0x3  }
0x94: {  	_ =	strace s3  }
0x95: {  	s3 =	sld [smem:$0x3FFD];
	_ =	sdelay $0x3  }
0x96: {  	_ =	strace s3  }
0x97: {  	_ =	strace $0x8FFFFFFF  }
0x98: {  	s19 =	sld [smem:$0x3FDB];
	_ =	sdelay $0x1  }
0x99: {  	s4 =	simm.s32 $_scs_section_size  }
0x9a: {  	s5 =	simm.s32 $_size__tile_overlayer_lowered;
	s6 =	simm.s32 $_tile_overlayer_lowered  }
0x9b: {  	s22 =	simm.s32 $0x1BFF;
	s21 =	sshll.u32 s6, $0x1;
	s3 =	sadd.s32 s4, s19  }
0x9c: {  	s7 =	simm.s32 $0x0;
	s20 =	sshll.u32 s5, $0x1;
	s5 =	sadd.s32 s21, s3  }
0x9d: {  	[timem:s7], [sflag:s22] =	dma.local [hbm:s5], s20  }
0x9e: {  	_ =	swait.ge [sflag:s22], s20  }
0x9f: {  	s4 =	ssub.s32 $0x0, s20;
	[sflag:s22] =	ssyncset.done $0x0  }
0xa0: {  	[sflag:s22] =	ssyncadd.s32 s4;
	_ =	sdelay $0x1  }
0xa1: {  	s23 =	simm.s32 $0x1B8B  }
0xa2: {  	_ =	swait.ge [sflag:s23], $0x1  }
0xa3: {  	[sflag:s23] =	ssyncset.done $0x0  }
0xa4: {  	s25 =	simm.s32 $0x1B8E;
	s24 =	sld [smem:$0x3FFE];
	[sflag:s23] =	ssyncadd.s32 $0xFFFFFFFF  }
0xa5: {  	s26 =	simm.s32 $execute0_lowered;
	[smem:$0x3FD2] =	sst s25  }
0xa6: {  	s5 =	sshll.u32 s26, $0x1;
	_ =	strace $0x80000046;
	[dreg:$0x1] =	wrdreg $0xFFFFFFFF  }
0xa7: {  	s28 =	simm.s32 $_size_execute0_lowered;
	s3 =	sadd.s32 s3, s5;
	[dreg:$0x0] =	wrdreg $0x0  }
0xa8: {  	s5 =	sshll.u32 s28, $0x1;
	[dreg:$0x2] =	wrdreg s3  }
0xa9: {  	[dreg:$0x3] =	wrdreg s5  }
0xaa: {  	[dreg:$0x4] =	wrdreg $0xC0  }
0xab: {  	_ =	task [dreg:s7], $0x5FFFF  }
0xac: {  	[dreg:$0x1] =	wrdreg $0xFFFFFFFF  }
0xad: {  	[dreg:$0x0] =	wrdreg $0x60  }
0xae: {  	[dreg:$0x2] =	wrdreg s2  }
0xaf: {  	[dreg:$0x3] =	wrdreg s24  }
0xb0: {  	[dreg:$0x4] =	wrdreg $0x0  }
0xb1: {  	[dreg:$0x5] =	wrdreg $0x9  }
0xb2: {  	_ =	task.clear_ibuf [dreg:s7], $0x6FFFF;
	_ =	strace $0x90000046  }
0xb3: {  	s29 =	simm.s32 $0x9;
	_ =	strace $0x80000048  }
0xb4: {  	_ =	swait.ge [sflag:s29], $0x1  }
0xb5: {  	[sflag:s29] =	ssyncadd.s32 $0xFFFFFFFF  }
0xb6: {  	_ =	strace $0x90000048  }
0xb7: {  	_ =	sfence  }
0xb8: {  	s30 =	sld [smem:$0x0];
	_ =	sdelay $0x2  }
0xb9: {  	s31 =	sshll.u32 s1, $0xD;
	s1 =	sshrl.u32 s1, $0x2  }
0xba: {  	s3 =	sand.u32 $0x4000, s31;
	s1 =	sadd.s32 s1, s30  }
0xbb: {  	s0 =	sor.u32 s3, s0;
	s1 =	sshll.u32 s1, $0x11  }
0xbc: {  	s0 =	sor.u32 s1, s0  }
0xbd: {  	s0 =	sadd.s32 $0x8F2B, s0  }
0xbe: {  	[sflag:s0] =	ssyncadd.remote.s32 $0x1  }
0xbf: {  	_ =	sfence.sel $0xFFFF  }
0xc0: {  	[dreg:$0x0] =	wrdreg $0xFFFFFFFF;
	(pc) =	sbr.abs _section_cstart, $3  }
0xc1: {  	[dreg:$0x1] =	wrdreg $0xFFFFFFFF  }
0xc2: {  	_ =	task.clear_ibuf [dreg:s7], $0x2FFFF;
	_ =	strace $0x9FFFFFFF  }
0xc3: {  	(tm) =	ssettm $0x7FFFFFFF  }
tec
execute0_lowered:
.L_overlay_start_1:
0x0: {  	(tag) =	ssettag $0x1  }
0x1: {  	s1 =	rddreg [dreg:$0x0]  }
0x2: {  	s0 =	rddreg [dreg:$0x1]  }
0x3: {  	s2 =	rddreg [dreg:$0x2];
	s4 =	simm.s32 $0x0;
	s3 =	srdreg.scid  }
0x4: {  	s13 =	stileid.u32;
	s28 =	simm.s32 $0x13C00;
	s29 =	simm.s32 $0xA  }
0x5: {  	s30 =	simm.s32 $0x18510;
	s31 =	simm.s32 $0x16390;
	[smem:$0x7FF] =	sst s4  }
0x6: {  	s3 =	sand.u32 $0x1, s3;
	s5 =	sadd.s32 $0xCA00, s0;
	s6 =	smul.u32 $0x2780, s13  }
0x7: {  	s8 =	sadd.s32 $0x2C00, s0;
	s10 =	sadd.s32 $0x16800, s0;
	s12 =	smul.u32 $0x4F000, s13  }
0x8: {  	s16 =	sshll.u32 s13, $0x6;
	s20 =	sshll.u32 s13, $0x3;
	_ =	strace $0x80000047  }
0x9: {  	s7 =	sshll.u32 s3, $0x4;
	s9 =	smul.u32 $0x27800, s3;
	[dreg:$0x4] =	wrdreg s10  }
0xa: {  	s11 =	ssub.s32 $0x2, s3;
	s22 =	sor.u32 $0x9C00, s20;
	s3 =	sshll.u32 s3, $0x7  }
0xb: {  	s7 =	sor.u32 s13, s7;
	s14 =	sshrl.u32 s11, $0x1;
	s15 =	sshrl.u32 s12, $0x2  }
0xc: {  	s23 =	sadd.s32 s5, s22;
	s24 =	sadd.s32 s3, s5;
	s13 =	simm.s32 $0x4  }
0xd: {  	s26 =	smul.u32 $0x4E2, s7;
	s6 =	sadd.s32 s6, s9;
	s9 =	ssub.s32 s11, s14  }
0xe: {  	s17 =	sshll.u32 s7, $0x3;
	s10 =	sadd.s32 s15, s2;
	s14 =	sor.u32 $0x1C0D, s16  }
0xf: {  	[dreg:$0xa] =	wrdreg s23;
	s16 =	sadd.s32 s20, s24;
	s23 =	simm.s32 $0x16510  }
0x10: {  	s24 =	simm.s32 $0x16350;
	p0 =	sgt.u32 s7, $0x7;
	s7 =	simm.s32 $0x163D0  }
0x11: {  	s11 =	simm.s32 $0x1C510;
	s6 =	sadd.s32 s6, s0;
	s18 =	sadd.s32 s5, s17  }
0x12: {  	s19 =	sadd.s32 s8, s17;
	s12 =	sor.u32 $0x100, s17;
	s25 =	smax.u32 s9, $0x1  }
0x13: {  	s15 =	sshrl.u32 s10, $0x3;
	s9 =	simm.s32 $0x2;
	[dreg:$0x5] =	wrdreg s14  }
0x14: {  	s10 =	simm.s32 $0xC;
	s0 =	sadd.s32 s26, s0;
	[dreg:$0x6] =	wrdreg s18  }
0x15: {  	[dreg:$0x7] =	wrdreg s19;
	s21 =	sadd.s32 s5, s12;
	s12 =	sadd.s32 s8, s12  }
0x16: {  	s6 =	sadd.s32 $0x22E00, s6;
	[dreg:$0xe] =	wrdreg s25;
	s26 =	sadd.s32 s3, s8  }
0x17: {  	s18 =	simm.s32 $0xD;
	s25 =	simm.s32 $0x16450;
	[dreg:$0xf] =	wrdreg s15  }
0x18: {  	s3 =	simm.s32 $0x1;
	s5 =	simm.s32 $0x1A510;
	[dreg:$0x8] =	wrdreg s21  }
.Ltmp0:
0x19: {  	s19 =	simm.s32 $0x0;
	[dreg:$0x9] =	wrdreg s12;
	(pc) =	sbr.rel .LBB2_1-.Ltmp0, $4  }
0x1a: {  	s12 =	sadd.s32 s8, s22;
	[dreg:$0xc] =	wrdreg s6;
	s0 =	sadd.s32 $0x19000, s0  }
0x1b: {  	s17 =	sadd.s32 s20, s26;
	s21 =	simm.s32 $0x16410;
	s22 =	simm.s32 $0x40  }
0x1c: {  	s26 =	simm.s32 $0xB;
	s8 =	simm.s32 $0x164D0;
	[dreg:$0xb] =	wrdreg s12  }
0x1d: {  	v0 =	vimm.f32 $0.0e+00;
	v1 =	vimm.f32 $1.000000000e+00;
	[dreg:$0xd] =	wrdreg s0;
	s0 =	simm.s32 $0x16490;
	s12 =	simm.s32 $0x3  }
.LBB2_8:
0x1e: {  	s6 =	simm.s32 $0x8  }
0x1f: {  	_ =	swait.ge [sflag:s6], $0x2000  }
0x20: {  	[sflag:s6] =	ssyncset.done $0x0  }
0x21: {  	[sflag:s6] =	ssyncadd.s32 $0xFFFFE000  }
.LBB2_6:
0x22: {  	s6 =	simm.s32 @!p0 $0x0;
	s14 =	simm.s32 @!p0 $0x16310;
	s15 =	rddreg [dreg:$0xa]  }
0x23: {  	[tilespmem:s14], [sflag:$0xD] =	stream.linear.gather @!p0 [hbm4b:s15+s6], $0x40, $0x38;
	[tilespmem:$0x1E510] =	vst v63  }
0x24: {  	s15 =	simm.s32 @!p0 $0xD  }
0x25: {  	_ =	swait.ge @!p0 [sflag:s15], $0x40  }
0x26: {  	[sflag:s15] =	ssyncset.done @!p0 $0x0  }
0x27: {  	s18 =	simm.s32 @!p0 $0x16410;
	s19 =	rddreg [dreg:$0xb];
	[sflag:s15] =	ssyncadd.s32 @!p0 $0xFFFFFFC0  }
0x28: {  	[tilespmem:s18], [sflag:$0xD] =	stream.linear.gather @!p0 [hbm4b:s19+s6], $0x40, $0x38;
	[tilespmem:$0x1E510] =	vst v63  }
0x29: {  	_ =	swait.ge @!p0 [sflag:s15], $0x40  }
0x2a: {  	[sflag:s15] =	ssyncset.done @!p0 $0x0  }
0x2b: {  	s6 =	simm.s32 @!p0 $0x40;
	s19 =	simm.s32 @!p0 $0x16510;
	[sflag:s15] =	ssyncadd.s32 @!p0 $0xFFFFFFC0  }
0x2c: {  	[tilespmem:s19], [sflag:$0x1] =	stream.indirect.gather @!p0 [hbm4b:s1+s6], $0x80, s14, s6, $0xb8;
	[tilespmem:$0x1E510] =	vst v63  }
0x2d: {  	s14 =	simm.s32 @!p0 $0x1  }
0x2e: {  	_ =	swait.ge @!p0 [sflag:s14], $0x2000  }
0x2f: {  	[sflag:s14] =	ssyncset.done @!p0 $0x0  }
0x30: {  	[sflag:s14] =	ssyncadd.s32 @!p0 $0xFFFFE000  }
0x31: {  	[spmem:s2] =	stream.indirect.scatter.add.f32 @!p0 [tilespmem:s19], [sflag:$0xD], $0x80, s18, s6, $0xb8;
	[tilespmem:$0x1E510] =	vst v63  }
0x32: {  	_ =	swait.ge @!p0 [sflag:s15], $0x2000  }
0x33: {  	[sflag:s15] =	ssyncset.done @!p0 $0x0  }
0x34: {  	[sflag:s15] =	ssyncadd.s32 @!p0 $0xFFFFE000  }
0x35: {  	v2 =	vld @!p0 [tilespmem:$0x16410];
	_ =	sdelay $0x6  }
0x36: {  	v3 =	vimm.f32 @!p0 $1.000000000e+00;
	s6 =	simm.s32 @!p0 $0x13C00  }
0x37: {  	[tilespmem:v2+s6+$0x0] =	vst.idx.add.f32.msk @!p0 $0xffff, v3  }
0x38: {  	v2 =	vld @!p0 [tilespmem:$0x16420];
	_ =	sdelay $0x7  }
0x39: {  	[tilespmem:v2+s6+$0x0] =	vst.idx.add.f32.msk @!p0 $0xffff, v3  }
0x3a: {  	v2 =	vld @!p0 [tilespmem:$0x16430];
	_ =	sdelay $0x7  }
0x3b: {  	[tilespmem:v2+s6+$0x0] =	vst.idx.add.f32.msk @!p0 $0xffff, v3  }
0x3c: {  	v2 =	vld @!p0 [tilespmem:$0x16440];
	_ =	sdelay $0x7  }
0x3d: {  	[tilespmem:v2+s6+$0x0] =	vst.idx.add.f32.msk @!p0 $0xffff, v3  }
0x3e: {  	[bflag:$0x0] =	sbarrier.arrive $0xFFFF  }
0x3f: {  	s14 =	rddreg [dreg:$0x5]  }
0x40: {  	s19 =	rddreg [dreg:$0xc]  }
0x41: {  	s18 =	simm.s32 $0xD;
	s15 =	rddreg [dreg:$0xf]  }
0x42: {  	[hbm:s19], [sflag:s14] =	dma.local [spmem:s15], $0x2780  }
0x43: {  	_ =	swait.ge [sflag:s18], $0x2780  }
0x44: {  	[sflag:s18] =	ssyncset.done $0x0  }
0x45: {  	s20 =	rddreg [dreg:$0xd];
	[sflag:s18] =	ssyncadd.s32 $0xFFFFD880  }
0x46: {  	[hbm4b:s20+s4] =	stream.linear.scatter [tilespmem:s28], [sflag:$0xD], $0x2710, $0x38;
	[tilespmem:$0x1E510] =	vst v63  }
0x47: {  	_ =	swait.ge [sflag:s18], $0x2710  }
0x48: {  	s6 =	rddreg [dreg:$0x10]  }
0x49: {  	s20 =	rddreg [dreg:$0xe];
	s19 =	sadd.s32 $0x1, s6  }
0x4a: {  	p1 =	sne.s32 s19, s20  }
.Ltmp1:
0x4b: {  	_ = 	snop;
	(pc) =	sbr.rel @!p1 .LBB2_7-.Ltmp1, $3  }
0x4c: {  	_ =	sdelay $0x1  }
0x4d: {  	[sflag:s18] =	ssyncset.done $0x0  }
0x4e: {  	[sflag:s18] =	ssyncadd.s32 $0xFFFFD8F0  }
.LBB2_1:
0x4f: {  	s6 =	rddreg [dreg:$0x4]  }
0x50: {  	[spmem:s15], [sflag:s14] =	dma.local [hbm:s6], $0x2780  }
0x51: {  	_ =	swait.ge [sflag:s18], $0x2780  }
0x52: {  	[sflag:s18] =	ssyncset.done $0x0  }
0x53: {  	s6 =	simm.s32 $0x40;
	s15 =	simm.s32 $0x0;
	[sflag:s18] =	ssyncadd.s32 $0xFFFFD880  }
.LBB2_2:
0x54: {  	p1 =	sne.s32 s6, $0x9C00;
	[tilespmem:s15+$0x13C00] =	vst v0;
	s15 =	smov.u32 s6;
	s6 =	sadd.s32 $0x40, s6  }
.Ltmp2:
0x55: {  	(pc) =	sbr.rel @p1 .LBB2_2-.Ltmp2, $2  }
0x56: {  	_ =	sdelay $0x2  }
0x57: {  	s15 =	sshra.s32 s15, $0x2  }
0x58: {  	[dreg:$0x10] =	wrdreg s19;
	[tilespmem:s15+$0x13C00] =	vst v0  }
0x59: {  	[bflag:$0x0] =	sbarrier.arrive $0xFFFF  }
0x5a: {  	s15 =	simm.s32 $0x0;
	s14 =	simm.s32 $0x16310;
	s6 =	rddreg [dreg:$0x6]  }
0x5b: {  	[tilespmem:s14], [sflag:$0xD] =	stream.linear.gather [hbm4b:s6+s15], $0x40, $0x38;
	[tilespmem:$0x1E510] =	vst v63  }
0x5c: {  	_ =	swait.ge [sflag:s18], $0x40  }
0x5d: {  	[sflag:s18] =	ssyncset.done $0x0  }
0x5e: {  	s20 =	rddreg [dreg:$0x7];
	[sflag:s18] =	ssyncadd.s32 $0xFFFFFFC0  }
0x5f: {  	[tilespmem:s21], [sflag:$0xD] =	stream.linear.gather [hbm4b:s20+s15], $0x40, $0x38;
	[tilespmem:$0x1E510] =	vst v63  }
0x60: {  	_ =	swait.ge [sflag:s18], $0x40  }
0x61: {  	[sflag:s18] =	ssyncset.done $0x0  }
0x62: {  	[sflag:s18] =	ssyncadd.s32 $0xFFFFFFC0  }
0x63: {  	[tilespmem:s23], [sflag:$0x1] =	stream.indirect.gather [hbm4b:s1+s22], $0x80, s14, s22, $0xb8;
	[tilespmem:$0x1E510] =	vst v63  }
0x64: {  	s19 =	rddreg [dreg:$0x8]  }
0x65: {  	[tilespmem:s24], [sflag:$0xA] =	stream.linear.gather [hbm4b:s19+s15], $0x40, $0x38;
	[tilespmem:$0x1E510] =	vst v63  }
0x66: {  	s20 =	rddreg [dreg:$0x9]  }
0x67: {  	[tilespmem:s25], [sflag:$0xA] =	stream.linear.gather [hbm4b:s20+s15], $0x40, $0x38;
	[tilespmem:$0x1E510] =	vst v63  }
0x68: {  	s6 =	simm.s32 $0x0;
	s20 =	simm.s32 $0xFFFFFFFC  }
.LBB2_4:
0x69: {  	p2 =	seq.s32 s15, $0x9C00  }
.Ltmp3:
0x6a: {  	p1 =	sgt.u32 s20, $0x9B;
	(pc) =	sbr.rel @p2 .LBB2_8-.Ltmp3, $4  }
0x6b: {  	s18 =	simm.s32 @!p1 $0x7  }
0x6c: {  	_ =	swait.ge @!p1 [sflag:s18], $0x2000  }
0x6d: {  	[sflag:s18] =	ssyncset.done @!p1 $0x0  }
0x6e: {  	[sflag:s18] =	ssyncadd.s32 @!p1 $0xFFFFE000  }
0x6f: {  	_ =	swait.ge [sflag:s29], $0x40  }
0x70: {  	[sflag:s29] =	ssyncset.done $0x0  }
0x71: {  	[sflag:s29] =	ssyncadd.s32 $0xFFFFFFC0  }
0x72: {  	_ =	swait.ge [sflag:s29], $0x40  }
0x73: {  	[sflag:s29] =	ssyncset.done $0x0  }
0x74: {  	s18 =	sadd.s32 s15, s16;
	[sflag:s29] =	ssyncadd.s32 $0xFFFFFFC0  }
0x75: {  	[tilespmem:s30], [sflag:$0x2] =	stream.indirect.gather [hbm4b:s1+s22], $0x80, s24, s22, $0xb8;
	[tilespmem:$0x1E510] =	vst v63  }
0x76: {  	s19 =	sadd.s32 $0x200, s18  }
0x77: {  	[tilespmem:s31], [sflag:$0xB] =	stream.linear.gather [hbm4b:s19+s4], $0x40, $0x38;
	[tilespmem:$0x1E510] =	vst v63  }
0x78: {  	s19 =	sadd.s32 s15, s17  }
0x79: {  	s14 =	sadd.s32 $0x200, s19  }
0x7a: {  	[tilespmem:s0], [sflag:$0xB] =	stream.linear.gather [hbm4b:s14+s4], $0x40, $0x38;
	[tilespmem:$0x1E510] =	vst v63  }
0x7b: {  	_ =	swait.ge [sflag:s3], $0x2000  }
0x7c: {  	[sflag:s3] =	ssyncset.done $0x0  }
0x7d: {  	[sflag:s3] =	ssyncadd.s32 $0xFFFFE000  }
0x7e: {  	[spmem:s2] =	stream.indirect.scatter.add.f32 [tilespmem:s23], [sflag:$0x5], $0x80, s21, s22, $0xb8;
	[tilespmem:$0x1E510] =	vst v63  }
0x7f: {  	v2 =	vld [tilespmem:$0x16410];
	_ =	sdelay $0x7  }
0x80: {  	[tilespmem:v2+s28+$0x0] =	vst.idx.add.f32.msk $0xffff, v1  }
0x81: {  	v2 =	vld [tilespmem:$0x16420];
	_ =	sdelay $0x7  }
0x82: {  	[tilespmem:v2+s28+$0x0] =	vst.idx.add.f32.msk $0xffff, v1  }
0x83: {  	v2 =	vld [tilespmem:$0x16430];
	_ =	sdelay $0x7  }
0x84: {  	[tilespmem:v2+s28+$0x0] =	vst.idx.add.f32.msk $0xffff, v1  }
0x85: {  	v2 =	vld [tilespmem:$0x16440];
	_ =	sdelay $0x6  }
0x86: {  	p1 =	seq.s32 s15, $0x0  }
0x87: {  	s14 =	simm.s32 @!p1 $0x8;
	[tilespmem:v2+s28+$0x0] =	vst.idx.add.f32.msk $0xffff, v1  }
0x88: {  	_ =	swait.ge @!p1 [sflag:s14], $0x2000  }
0x89: {  	[sflag:s14] =	ssyncset.done @!p1 $0x0  }
0x8a: {  	[sflag:s14] =	ssyncadd.s32 @!p1 $0xFFFFE000  }
0x8b: {  	_ =	swait.ge [sflag:s26], $0x40  }
0x8c: {  	[sflag:s26] =	ssyncset.done $0x0  }
0x8d: {  	[sflag:s26] =	ssyncadd.s32 $0xFFFFFFC0  }
0x8e: {  	_ =	swait.ge [sflag:s26], $0x40  }
0x8f: {  	[sflag:s26] =	ssyncset.done $0x0  }
0x90: {  	[sflag:s26] =	ssyncadd.s32 $0xFFFFFFC0  }
0x91: {  	[tilespmem:s5], [sflag:$0x3] =	stream.indirect.gather [hbm4b:s1+s22], $0x80, s31, s22, $0xb8;
	[tilespmem:$0x1E510] =	vst v63  }
0x92: {  	s18 =	sadd.s32 $0x300, s18  }
0x93: {  	[tilespmem:s7], [sflag:$0xC] =	stream.linear.gather [hbm4b:s18+s4], $0x40, $0x38;
	[tilespmem:$0x1E510] =	vst v63  }
0x94: {  	s19 =	sadd.s32 $0x300, s19  }
0x95: {  	[tilespmem:s8], [sflag:$0xC] =	stream.linear.gather [hbm4b:s19+s4], $0x40, $0x38;
	[tilespmem:$0x1E510] =	vst v63  }
0x96: {  	_ =	swait.ge [sflag:s9], $0x2000  }
0x97: {  	[sflag:s9] =	ssyncset.done $0x0  }
0x98: {  	[sflag:s9] =	ssyncadd.s32 $0xFFFFE000  }
0x99: {  	[spmem:s2] =	stream.indirect.scatter.add.f32 [tilespmem:s30], [sflag:$0x6], $0x80, s25, s22, $0xb8;
	[tilespmem:$0x1E510] =	vst v63  }
0x9a: {  	v2 =	vld [tilespmem:$0x16450];
	_ =	sdelay $0x7  }
0x9b: {  	[tilespmem:v2+s28+$0x0] =	vst.idx.add.f32.msk $0xffff, v1  }
0x9c: {  	v2 =	vld [tilespmem:$0x16460];
	_ =	sdelay $0x7  }
0x9d: {  	[tilespmem:v2+s28+$0x0] =	vst.idx.add.f32.msk $0xffff, v1  }
0x9e: {  	v2 =	vld [tilespmem:$0x16470];
	_ =	sdelay $0x7  }
0x9f: {  	[tilespmem:v2+s28+$0x0] =	vst.idx.add.f32.msk $0xffff, v1  }
0xa0: {  	v2 =	vld [tilespmem:$0x16480];
	_ =	sdelay $0x6  }
0xa1: {  	p1 =	sgt.u32 s6, $0x26  }
0xa2: {  	s14 =	simm.s32 @!p1 $0x5;
	[tilespmem:v2+s28+$0x0] =	vst.idx.add.f32.msk $0xffff, v1  }
0xa3: {  	_ =	swait.ge @!p1 [sflag:s14], $0x2000  }
0xa4: {  	[sflag:s14] =	ssyncset.done @!p1 $0x0  }
0xa5: {  	[sflag:s14] =	ssyncadd.s32 @!p1 $0xFFFFE000  }
0xa6: {  	_ =	swait.ge [sflag:s10], $0x40  }
0xa7: {  	[sflag:s10] =	ssyncset.done $0x0  }
0xa8: {  	[sflag:s10] =	ssyncadd.s32 $0xFFFFFFC0  }
0xa9: {  	_ =	swait.ge [sflag:s10], $0x40  }
0xaa: {  	p1 =	sgt.u32 s6, $0x25;
	[sflag:s10] =	ssyncset.done $0x0  }
0xab: {  	s14 =	sadd.s32 @!p1 s15, s16;
	[sflag:s10] =	ssyncadd.s32 $0xFFFFFFC0  }
0xac: {  	[tilespmem:s11], [sflag:$0x4] =	stream.indirect.gather [hbm4b:s1+s22], $0x80, s7, s22, $0xb8;
	[tilespmem:$0x1E510] =	vst v63  }
0xad: {  	s18 =	simm.s32 @!p1 $0x0;
	s19 =	simm.s32 @!p1 $0x16310;
	s14 =	sadd.s32 @!p1 $0x400, s14  }
0xae: {  	[tilespmem:s19], [sflag:$0x9] =	stream.linear.gather @!p1 [hbm4b:s14+s18], $0x40, $0x38;
	[tilespmem:$0x1E510] =	vst v63  }
0xaf: {  	s14 =	sadd.s32 @!p1 s15, s17  }
0xb0: {  	s19 =	simm.s32 @!p1 $0x16410;
	s14 =	sadd.s32 @!p1 $0x400, s14  }
0xb1: {  	[tilespmem:s19], [sflag:$0x9] =	stream.linear.gather @!p1 [hbm4b:s14+s18], $0x40, $0x38;
	[tilespmem:$0x1E510] =	vst v63  }
0xb2: {  	_ =	swait.ge [sflag:s12], $0x2000  }
0xb3: {  	[sflag:s12] =	ssyncset.done $0x0  }
0xb4: {  	[sflag:s12] =	ssyncadd.s32 $0xFFFFE000  }
0xb5: {  	[spmem:s2] =	stream.indirect.scatter.add.f32 [tilespmem:s5], [sflag:$0x7], $0x80, s0, s22, $0xb8;
	[tilespmem:$0x1E510] =	vst v63  }
0xb6: {  	v2 =	vld [tilespmem:$0x16490];
	_ =	sdelay $0x7  }
0xb7: {  	[tilespmem:v2+s28+$0x0] =	vst.idx.add.f32.msk $0xffff, v1  }
0xb8: {  	v2 =	vld [tilespmem:$0x164A0];
	_ =	sdelay $0x7  }
0xb9: {  	[tilespmem:v2+s28+$0x0] =	vst.idx.add.f32.msk $0xffff, v1  }
0xba: {  	v2 =	vld [tilespmem:$0x164B0];
	_ =	sdelay $0x7  }
0xbb: {  	[tilespmem:v2+s28+$0x0] =	vst.idx.add.f32.msk $0xffff, v1  }
0xbc: {  	v2 =	vld [tilespmem:$0x164C0];
	_ =	sdelay $0x6  }
0xbd: {  	p2 =	slt.u32 s6, $0x27  }
0xbe: {  	s14 =	simm.s32 @p2 $0x6;
	[tilespmem:v2+s28+$0x0] =	vst.idx.add.f32.msk $0xffff, v1  }
0xbf: {  	p1 =	sgt.u32 @p2 s6, $0x25;
	_ =	swait.ge @p2 [sflag:s14], $0x2000  }
0xc0: {  	p1 =	por p1, !p2;
	[sflag:s14] =	ssyncset.done @p2 $0x0  }
0xc1: {  	[sflag:s14] =	ssyncadd.s32 @p2 $0xFFFFE000;
	s14 =	simm.s32 @!p1 $0x9  }
0xc2: {  	_ =	swait.ge @!p1 [sflag:s14], $0x40  }
0xc3: {  	[sflag:s14] =	ssyncset.done @!p1 $0x0  }
0xc4: {  	[sflag:s14] =	ssyncadd.s32 @!p1 $0xFFFFFFC0  }
0xc5: {  	_ =	swait.ge @!p1 [sflag:s14], $0x40  }
0xc6: {  	s18 =	simm.s32 @!p1 $0x16310;
	[sflag:s14] =	ssyncset.done @!p1 $0x0  }
0xc7: {  	s19 =	simm.s32 @!p1 $0x16510;
	[sflag:s14] =	ssyncadd.s32 @!p1 $0xFFFFFFC0;
	s14 =	simm.s32 @!p1 $0x40  }
0xc8: {  	[tilespmem:s19], [sflag:$0x1] =	stream.indirect.gather @!p1 [hbm4b:s1+s14], $0x80, s18, s14, $0xb8;
	[tilespmem:$0x1E510] =	vst v63  }
0xc9: {  	s14 =	sadd.s32 @!p1 s15, s16  }
0xca: {  	s18 =	simm.s32 @!p1 $0x0;
	s19 =	simm.s32 @!p1 $0x16350;
	s14 =	sadd.s32 @!p1 $0x500, s14  }
0xcb: {  	[tilespmem:s19], [sflag:$0xA] =	stream.linear.gather @!p1 [hbm4b:s14+s18], $0x40, $0x38;
	[tilespmem:$0x1E510] =	vst v63  }
0xcc: {  	s14 =	sadd.s32 @!p1 s15, s17  }
0xcd: {  	s19 =	simm.s32 @!p1 $0x16450;
	s14 =	sadd.s32 @!p1 $0x500, s14  }
0xce: {  	[tilespmem:s19], [sflag:$0xA] =	stream.linear.gather @!p1 [hbm4b:s14+s18], $0x40, $0x38;
	[tilespmem:$0x1E510] =	vst v63  }
0xcf: {  	_ =	swait.ge [sflag:s13], $0x2000  }
0xd0: {  	[sflag:s13] =	ssyncset.done $0x0  }
0xd1: {  	[sflag:s13] =	ssyncadd.s32 $0xFFFFE000  }
0xd2: {  	[spmem:s2] =	stream.indirect.scatter.add.f32 [tilespmem:s11], [sflag:$0x8], $0x80, s8, s22, $0xb8;
	[tilespmem:$0x1E510] =	vst v63  }
0xd3: {  	v2 =	vld [tilespmem:$0x164D0];
	_ =	sdelay $0x7  }
0xd4: {  	[tilespmem:v2+s28+$0x0] =	vst.idx.add.f32.msk $0xffff, v1  }
0xd5: {  	v2 =	vld [tilespmem:$0x164E0];
	_ =	sdelay $0x7  }
0xd6: {  	[tilespmem:v2+s28+$0x0] =	vst.idx.add.f32.msk $0xffff, v1  }
0xd7: {  	v2 =	vld [tilespmem:$0x164F0];
	_ =	sdelay $0x7  }
0xd8: {  	[tilespmem:v2+s28+$0x0] =	vst.idx.add.f32.msk $0xffff, v1  }
0xd9: {  	v2 =	vld [tilespmem:$0x16500];
	_ =	sdelay $0x1  }
0xda: {  	s15 =	sadd.s32 $0x400, s15  }
0xdb: {  	p1 =	sne.s32 s15, $0xA000  }
.Ltmp4:
0xdc: {  	_ = 	snop;
	(pc) =	sbr.rel @p1 .LBB2_4-.Ltmp4, $4  }
.Ltmp5:
0xdd: {  	_ = 	snop;
	(pc) =	sbr.rel @!p1 .LBB2_6-.Ltmp5, $4  }
0xde: {  	_ = 	snop  }
0xdf: {  	_ = 	snop  }
0xe0: {  	s20 =	sadd.s32 $0x4, s20;
	s6 =	sadd.s32 $0x1, s6;
	[tilespmem:v2+s28+$0x0] =	vst.idx.add.f32.msk $0xffff, v1  }
0xe1: {  	_ = 	snop  }
.LBB2_7:
0xe2: {  	_ =	sfence.sel $0x180000  }
0xe3: {  	[bflag:$0x0] =	sbarrier.arrive $0xFFFF  }
0xe4: {  	_ =	strace $0x90000047  }
0xe5: {  	s0 =	stileid.u32;
	[bflag:$0x2] =	sbarrier.arrive $0xFFFF  }
0xe6: {  	p0 =	sne.s32 s0, $0x0;
	s0 =	rddreg [dreg:$0x3]  }
0xe7: {  	s0 =	sadd.s32 @!p0 $0x100000, s0  }
0xe8: {  	[sflag:s0] =	ssyncadd.tile.s32 @!p0 $0x1;
	_ =	shalt  }
.Lfunc_end2:
_tile_overlayer_lowered:
.L_overlay_start_2:
0xe9: {  	(tag) =	ssettag $0x2  }
0xea: {  	s0 =	rddreg [dreg:$0x0];
	s2 =	stileid.u32  }
0xeb: {  	s1 =	rddreg [dreg:$0x1];
	p0 =	sne.s32 s2, $0x0  }
0xec: {  	s3 =	rddreg [dreg:$0x2];
	[bflag:$0x3] =	sbarrier.arrive $0xFFFF;
	s2 =	simm.s32 @!p0 $0x1C0D  }
0xed: {  	[timem:s3], [sflag:s2] =	dma.local @!p0 [hbm:s0], s1  }
0xee: {  	s0 =	simm.s32 @!p0 $0xD  }
0xef: {  	_ =	swait.ge @!p0 [sflag:s0], s1  }
0xf0: {  	s1 =	ssub.s32 @!p0 $0x0, s1;
	[sflag:s0] =	ssyncset.done @!p0 $0x0  }
0xf1: {  	[sflag:s0] =	ssyncadd.s32 @!p0 s1  }
0xf2: {  	[bflag:$0x3] =	sbarrier.arrive $0xFFFF  }
0xf3: {  	_ =	shalt  }

// kernel: kernel.9.cloned.1.call-start
scs
__scs_entry_jumppad:
0x0: {  	(pc) =	sbr.rel $0x88, $3  }
0x1: {  	(tag) =	ssettag $0x0;
	lr =	simm.s32 $0x1  }
0x2: {  	[smem:$0x3F96] =	sst lr;
	_ =	strace $0xD0000000  }
0x3: {  	_ = 	snop  }
0x4: {  	_ = 	snop  }
0x5: {  	_ = 	snop  }
0x6: {  	_ = 	snop  }
0x7: {  	_ = 	snop  }
__scs_overlays_trampoline_lowered:
0x8: {  	[smem:$0x3FA5] =	sst s0  }
0x9: {  	[smem:$0x3FA6] =	sst s1  }
0xa: {  	[smem:$0x3FA7] =	sst s2  }
0xb: {  	[smem:$0x3FA8] =	sst s3  }
0xc: {  	[smem:$0x3FA9] =	sst s4  }
0xd: {  	[smem:$0x3FAA] =	sst s5  }
0xe: {  	[smem:$0x3FAB] =	sst s6  }
0xf: {  	[smem:$0x3FAC] =	sst s7  }
0x10: {  	[smem:$0x3FAD] =	sst s8  }
0x11: {  	[smem:$0x3FAE] =	sst s9;
	s0 =	simm.s32 @!p0 $0x0  }
0x12: {  	s1 =	sld [smem:$0x3F94];
	s0 =	simm.s32 @p0 $0x1  }
0x13: {  	[smem:$0x3FAF] =	sst s0;
	s0 =	simm.s32 @!p1 $0x0  }
0x14: {  	s2 =	sld [smem:$0x3F93];
	s0 =	simm.s32 @p1 $0x1  }
0x15: {  	[smem:$0x3FB0] =	sst s0;
	s0 =	simm.s32 @!p2 $0x0  }
0x16: {  	s3 =	sld [smem:$0x3FDB];
	s0 =	simm.s32 @p2 $0x1  }
0x17: {  	s4 =	simm.s32 $0x1BF5;
	[smem:$0x3FB2] =	sst s0  }
0x18: {  	s0 =	sld [smem:$0x3F95];
	_ =	swait.ge [sflag:s4], $0x0  }
0x19: {  	s7 =	sld [smem:$0x3F96]  }
0x1a: {  	s8 =	sadd.s32 $0xFFFFE003, lr  }
0x1b: {  	s9 =	sadd.s32 $0xFFFFFEF7, lr;
	s5 =	simm.s32 $0xFFFFFFFF;
	p2 =	slt.u32 s8, $0xFFFFF086  }
0x1c: {  	p1 =	slt.u32 s9, $0xF7A;
	s5 =	simm.s32 @!p2 $0x0  }
0x1d: {  	s5 =	simm.s32 @p1 $0x1;
	p0 =	seq.s32 s7, s2  }
0x1e: {  	s7 =	smul.u32 @!p0 $0xF7A, s2;
	p2 =	seq.s32 @!p0 s5, $0x0  }
0x1f: {  	s9 =	smul.u32 $0xF7A, s1;
	s8 =	simm.s32 @!p0 $0x1BF5;
	p2 =	por !p2, p0  }
0x20: {  	[sflag:s8] =	ssyncset.s32 @!p0 $0xFFFFF086;
	s6 =	sadd.s32 @!p0 s3, s7;
	s7 =	simm.s32 @!p0 $0x108  }
0x21: {  	s3 =	sadd.s32 s3, s9;
	s6 =	sadd.s32 @!p0 $0x88, s6;
	s7 =	simm.s32 @p2 $0x1082  }
0x22: {  	[simem:s7], [sflag:s8] =	dma.local @!p0 [hbm:s6], $0xF7A  }
0x23: {  	s9 =	sor.u32 $0xD0000000, s2;
	s6 =	simm.s32 $0x108;
	_ =	swait.ge @!p0 [sflag:s8], $0x0  }
0x24: {  	s3 =	sadd.s32 $0x88, s3;
	s6 =	simm.s32 @!p1 $0x1082;
	[sflag:s4] =	ssyncset.s32 $0xFFFFF086  }
0x25: {  	[simem:s6], [sflag:s4] =	dma.local [hbm:s3], $0xF7A  }
0x26: {  	[smem:$0x3F96] =	sst s1;
	(tag) =	ssettag s2;
	_ =	strace s9  }
0x27: {  	s1 =	sld [smem:$0x3FA6]  }
0x28: {  	s2 =	sld [smem:$0x3FA7]  }
0x29: {  	s4 =	sld [smem:$0x3FA9]  }
0x2a: {  	p0 =	seq.s32 s5, $0x0;
	s5 =	sld [smem:$0x3FAA]  }
0x2b: {  	s6 =	sld [smem:$0x3FAB]  }
0x2c: {  	s7 =	sld [smem:$0x3FAC]  }
0x2d: {  	s3 =	simm.s32 $0x108;
	s8 =	sld [smem:$0x3FAD]  }
0x2e: {  	s3 =	simm.s32 @!p0 $0x1082;
	s9 =	sld [smem:$0x3FAE]  }
0x2f: {  	lr =	sadd.s32 s0, s3;
	s0 =	sld [smem:$0x3FA5]  }
0x30: {  	s3 =	sld [smem:$0x3FA8]  }
0x31: {  	[smem:$0x3FB1] =	sst s10  }
0x32: {  	s10 =	sld [smem:$0x3FAF];
	_ =	sdelay $0x3  }
0x33: {  	p0 =	seq.s32 s10, $0x1;
	s10 =	sld [smem:$0x3FB1];
	_ =	sdelay $0x3  }
0x34: {  	[smem:$0x3FB1] =	sst s10  }
0x35: {  	s10 =	sld [smem:$0x3FB0];
	_ =	sdelay $0x3  }
0x36: {  	p1 =	seq.s32 s10, $0x1;
	s10 =	sld [smem:$0x3FB1];
	_ =	sdelay $0x3  }
0x37: {  	[smem:$0x3FB1] =	sst s10  }
0x38: {  	s10 =	sld [smem:$0x3FB2]  }
0x39: {  	_ = 	snop;
	(pc) =	sbr.ind lr, $3  }
0x3a: {  	_ = 	snop  }
0x3b: {  	_ = 	snop  }
0x3c: {  	p2 =	seq.s32 s10, $0x1;
	s10 =	sld [smem:$0x3FB1]  }
0x3d: {  	_ =	shalt  }
0x3e: {  	_ =	shalt  }
0x3f: {  	_ =	shalt  }
0x40: {  	_ =	shalt  }
0x41: {  	_ =	shalt  }
0x42: {  	_ =	shalt  }
0x43: {  	_ =	shalt  }
0x44: {  	_ =	shalt  }
0x45: {  	_ =	shalt  }
0x46: {  	_ =	shalt  }
0x47: {  	_ =	shalt  }
0x48: {  	_ =	shalt  }
0x49: {  	_ =	shalt  }
0x4a: {  	_ =	shalt  }
0x4b: {  	_ =	shalt  }
0x4c: {  	_ =	shalt  }
0x4d: {  	_ =	shalt  }
0x4e: {  	_ =	shalt  }
0x4f: {  	_ =	shalt  }
0x50: {  	_ =	shalt  }
0x51: {  	_ =	shalt  }
0x52: {  	_ =	shalt  }
0x53: {  	_ =	shalt  }
0x54: {  	_ =	shalt  }
0x55: {  	_ =	shalt  }
0x56: {  	_ =	shalt  }
0x57: {  	_ =	shalt  }
0x58: {  	_ =	shalt  }
0x59: {  	_ =	shalt  }
0x5a: {  	_ =	shalt  }
0x5b: {  	_ =	shalt  }
0x5c: {  	_ =	shalt  }
0x5d: {  	_ =	shalt  }
0x5e: {  	_ =	shalt  }
0x5f: {  	_ =	shalt  }
0x60: {  	_ =	shalt  }
0x61: {  	_ =	shalt  }
0x62: {  	_ =	shalt  }
0x63: {  	_ =	shalt  }
0x64: {  	_ =	shalt  }
0x65: {  	_ =	shalt  }
0x66: {  	_ =	shalt  }
0x67: {  	_ =	shalt  }
0x68: {  	_ =	shalt  }
0x69: {  	_ =	shalt  }
0x6a: {  	_ =	shalt  }
0x6b: {  	_ =	shalt  }
0x6c: {  	_ =	shalt  }
0x6d: {  	_ =	shalt  }
0x6e: {  	_ =	shalt  }
0x6f: {  	_ =	shalt  }
0x70: {  	_ =	shalt  }
0x71: {  	_ =	shalt  }
0x72: {  	_ =	shalt  }
0x73: {  	_ =	shalt  }
0x74: {  	_ =	shalt  }
0x75: {  	_ =	shalt  }
0x76: {  	_ =	shalt  }
0x77: {  	_ =	shalt  }
0x78: {  	_ =	shalt  }
0x79: {  	_ =	shalt  }
0x7a: {  	_ =	shalt  }
0x7b: {  	_ =	shalt  }
0x7c: {  	_ =	shalt  }
0x7d: {  	_ =	shalt  }
0x7e: {  	_ =	shalt  }
0x7f: {  	_ =	shalt  }
0x80: {  	_ =	shalt  }
0x81: {  	_ =	shalt  }
0x82: {  	_ =	shalt  }
0x83: {  	_ =	shalt  }
0x84: {  	_ =	shalt  }
0x85: {  	_ =	shalt  }
0x86: {  	_ =	shalt  }
0x87: {  	_ =	shalt  }
.Lfunc_end0:
.L_simem_size_0:
called_computation.1_lowered:
.L_overlay_start_0:
0x88: {  	s2 =	sld [smem:$0x3FD9]  }
0x89: {  	s3 =	sld [smem:$0x3FFE];
	_ =	sdelay $0x1  }
0x8a: {  	s1 =	srdreg.scid  }
0x8b: {  	s0 =	sand.u32 $0x1, s1  }
0x8c: {  	s16 =	sshll.u32 s0, $0xA;
	s2 =	sadd.s32 s3, s2  }
0x8d: {  	s2 =	sadd.s32 s2, s16  }
0x8e: {  	[smem:$0x3FBD] =	sst s2  }
0x8f: {  	_ = 	snop  }
0x90: {  	(tm) =	ssettm $0x1  }
0x91: {  	s17 =	sld [smem:$0x3FFB];
	_ =	sdelay $0x3  }
0x92: {  	_ =	strace s17  }
0x93: {  	s2 =	sld [smem:$0x3FFC];
	_ =	sdelay $0x3  }
0x94: {  	_ =	strace s2  }
0x95: {  	s2 =	sld [smem:$0x3FFD];
	_ =	sdelay $0x3  }
0x96: {  	_ =	strace s2  }
0x97: {  	_ =	strace $0x8FFFFFFF  }
0x98: {  	s18 =	sld [smem:$0x3FDB];
	_ =	sdelay $0x1  }
0x99: {  	s19 =	simm.s32 $_scs_section_size  }
0x9a: {  	s4 =	simm.s32 $_size__tile_overlayer_lowered;
	s5 =	simm.s32 $_tile_overlayer_lowered  }
0x9b: {  	s22 =	simm.s32 $0x1BFF;
	s21 =	sshll.u32 s5, $0x1;
	s2 =	sadd.s32 s19, s18  }
0x9c: {  	s6 =	simm.s32 $0x0;
	s20 =	sshll.u32 s4, $0x1;
	s4 =	sadd.s32 s21, s2  }
0x9d: {  	[timem:s6], [sflag:s22] =	dma.local [hbm:s4], s20  }
0x9e: {  	_ =	swait.ge [sflag:s22], s20  }
0x9f: {  	s3 =	ssub.s32 $0x0, s20;
	[sflag:s22] =	ssyncset.done $0x0  }
0xa0: {  	[sflag:s22] =	ssyncadd.s32 s3;
	_ =	sdelay $0x1  }
0xa1: {  	s23 =	simm.s32 $0x1B8B  }
0xa2: {  	_ =	swait.ge [sflag:s23], $0x1  }
0xa3: {  	[sflag:s23] =	ssyncset.done $0x0  }
0xa4: {  	s25 =	simm.s32 $0x1B8E;
	s24 =	sld [smem:$0x3FFE];
	[sflag:s23] =	ssyncadd.s32 $0xFFFFFFFF  }
0xa5: {  	s26 =	simm.s32 $execute0_lowered;
	[smem:$0x3FD2] =	sst s25  }
0xa6: {  	s4 =	sshll.u32 s26, $0x1;
	_ =	strace $0x80000049;
	[dreg:$0x1] =	wrdreg $0xFFFFFFFF  }
0xa7: {  	s28 =	simm.s32 $_size_execute0_lowered;
	s2 =	sadd.s32 s2, s4;
	[dreg:$0x0] =	wrdreg $0x0  }
0xa8: {  	s4 =	sshll.u32 s28, $0x1;
	[dreg:$0x2] =	wrdreg s2  }
0xa9: {  	[dreg:$0x3] =	wrdreg s4  }
0xaa: {  	[dreg:$0x4] =	wrdreg $0xC0  }
0xab: {  	_ =	task [dreg:s6], $0x5FFFF  }
0xac: {  	[dreg:$0x1] =	wrdreg $0xFFFFFFFF  }
0xad: {  	[dreg:$0x0] =	wrdreg $0x60  }
0xae: {  	[dreg:$0x2] =	wrdreg s24  }
0xaf: {  	[dreg:$0x3] =	wrdreg $0x0  }
0xb0: {  	[dreg:$0x4] =	wrdreg $0x9  }
0xb1: {  	_ =	task.clear_ibuf [dreg:s6], $0x5FFFF;
	_ =	strace $0x90000049  }
0xb2: {  	s29 =	simm.s32 $0x9;
	_ =	strace $0x8000004B  }
0xb3: {  	_ =	swait.ge [sflag:s29], $0x1  }
0xb4: {  	[sflag:s29] =	ssyncadd.s32 $0xFFFFFFFF  }
0xb5: {  	_ =	strace $0x9000004B  }
0xb6: {  	_ =	sfence  }
0xb7: {  	s30 =	sld [smem:$0x0];
	_ =	sdelay $0x2  }
0xb8: {  	s31 =	sshll.u32 s1, $0xD;
	s1 =	sshrl.u32 s1, $0x2  }
0xb9: {  	s3 =	sand.u32 $0x4000, s31;
	s1 =	sadd.s32 s1, s30  }
0xba: {  	s0 =	sor.u32 s3, s0;
	s1 =	sshll.u32 s1, $0x11  }
0xbb: {  	s0 =	sor.u32 s1, s0  }
0xbc: {  	s0 =	sadd.s32 $0x8F2B, s0  }
0xbd: {  	[sflag:s0] =	ssyncadd.remote.s32 $0x1  }
0xbe: {  	_ =	sfence.sel $0xFFFF  }
0xbf: {  	[dreg:$0x0] =	wrdreg $0xFFFFFFFF;
	(pc) =	sbr.abs _section_cstart, $3  }
0xc0: {  	[dreg:$0x1] =	wrdreg $0xFFFFFFFF  }
0xc1: {  	_ =	task.clear_ibuf [dreg:s6], $0x2FFFF;
	_ =	strace $0x9FFFFFFF  }
0xc2: {  	(tm) =	ssettm $0x7FFFFFFF  }
0xc3: {  	_ =	shalt  }
tec
execute0_lowered:
.L_overlay_start_1:
0x0: {  	(tag) =	ssettag $0x1  }
0x1: {  	s0 =	rddreg [dreg:$0x0]  }
0x2: {  	s1 =	rddreg [dreg:$0x1];
	s2 =	simm.s32 $0x0;
	s3 =	srdreg.scid  }
0x3: {  	s12 =	stileid.u32;
	s28 =	simm.s32 $0x14000;
	s30 =	simm.s32 $0x13E80  }
0x4: {  	s31 =	simm.s32 $0x1;
	s29 =	simm.s32 $0x2;
	[smem:$0x7FF] =	sst s2  }
0x5: {  	s4 =	sadd.s32 $0x16800, s0;
	s5 =	sadd.s32 $0xCA00, s0;
	s7 =	smul.u32 $0x2780, s12  }
0x6: {  	s6 =	sadd.s32 $0x2C00, s0;
	s3 =	sand.u32 $0x1, s3;
	s11 =	smul.u32 $0x4F000, s12  }
0x7: {  	s8 =	sadd.s32 $0x3DA00, s0;
	s16 =	sshll.u32 s12, $0x6;
	s17 =	smul.u32 $0x2710, s12  }
0x8: {  	_ =	strace $0x8000004A;
	[dreg:$0x3] =	wrdreg s8;
	s26 =	smul.u32 $0x27800, s3  }
0x9: {  	s9 =	sshll.u32 s3, $0x4;
	s10 =	ssub.s32 $0x2, s3;
	s3 =	smul.u32 $0x27100, s3  }
0xa: {  	s9 =	sor.u32 s12, s9;
	s13 =	sshrl.u32 s10, $0x1;
	s15 =	sshrl.u32 s11, $0x2  }
0xb: {  	s11 =	simm.s32 $0x3;
	s12 =	simm.s32 $0x13F00;
	s7 =	sadd.s32 s7, s26  }
0xc: {  	s9 =	smul.u32 $0x2710, s9;
	s14 =	ssub.s32 s10, s13;
	s8 =	sadd.s32 s15, s1  }
0xd: {  	s10 =	sor.u32 $0x1C0D, s16;
	s3 =	sadd.s32 s17, s3;
	s13 =	simm.s32 $0x19000  }
0xe: {  	s0 =	sadd.s32 s7, s0;
	[dreg:$0x4] =	wrdreg s8;
	s21 =	sadd.s32 $0x190, s3  }
0xf: {  	s7 =	smax.u32 s14, $0x1;
	s23 =	sadd.s32 $0xF0, s3;
	s25 =	sadd.s32 $0xA0, s3  }
0x10: {  	s3 =	sadd.s32 $0x140, s3;
	s14 =	simm.s32 $0x0;
	[dreg:$0x5] =	wrdreg s10  }
0x11: {  	s18 =	sshrl.u32 s9, $0x3;
	s0 =	sadd.s32 $0x40200, s0;
	[dreg:$0xb] =	wrdreg s7  }
0x12: {  	s22 =	sshrl.u32 s21, $0x3;
	s24 =	sshrl.u32 s23, $0x3;
	[dreg:$0xc] =	wrdreg s3  }
0x13: {  	s26 =	sshrl.u32 s25, $0x3;
	s25 =	simm.s32 $0x13E00;
	s7 =	simm.s32 $0x16800  }
0x14: {  	s9 =	sadd.s32 s5, s18;
	s19 =	sadd.s32 $0xA, s18;
	s8 =	sadd.s32 s6, s18  }
0x15: {  	[dreg:$0xa] =	wrdreg s0;
	s16 =	sadd.s32 s22, s6;
	s17 =	sadd.s32 s22, s5  }
.Ltmp0:
0x16: {  	s21 =	sadd.s32 s26, s6;
	s22 =	sadd.s32 s26, s5;
	(pc) =	sbr.rel .LBB2_1-.Ltmp0, $4  }
0x17: {  	s26 =	simm.s32 $0x50;
	s0 =	simm.s32 $0x13D80;
	[dreg:$0x6] =	wrdreg s9  }
0x18: {  	[dreg:$0x7] =	wrdreg s8;
	s20 =	sadd.s32 s5, s19;
	s9 =	sadd.s32 s6, s19  }
0x19: {  	s19 =	sadd.s32 s24, s6;
	s8 =	simm.s32 $0xC;
	[dreg:$0x8] =	wrdreg s20  }
0x1a: {  	[dreg:$0x9] =	wrdreg s9;
	s20 =	sadd.s32 s24, s5;
	s9 =	simm.s32 $0xD  }
.LBB2_11:
0x1b: {  	[bflag:$0x0] =	sbarrier.arrive $0xFFFF  }
0x1c: {  	s10 =	rddreg [dreg:$0x5]  }
0x1d: {  	s3 =	rddreg [dreg:$0xa]  }
0x1e: {  	s9 =	rddreg [dreg:$0xe]  }
0x1f: {  	[hbm:s3], [sflag:s10] =	dma.local [spmem:s9], $0x2780  }
0x20: {  	s9 =	simm.s32 $0xD  }
0x21: {  	_ =	swait.ge [sflag:s9], $0x2780  }
0x22: {  	s14 =	rddreg [dreg:$0xd]  }
0x23: {  	s24 =	rddreg [dreg:$0xb];
	s14 =	sadd.s32 $0x1, s14  }
0x24: {  	p0 =	sne.s32 s14, s24  }
.Ltmp1:
0x25: {  	_ = 	snop;
	(pc) =	sbr.rel @!p0 .LBB2_12-.Ltmp1, $3  }
0x26: {  	_ =	sdelay $0x1  }
0x27: {  	[sflag:s9] =	ssyncset.done $0x0  }
0x28: {  	[sflag:s9] =	ssyncadd.s32 $0xFFFFD880  }
.LBB2_1:
0x29: {  	[dreg:$0xd] =	wrdreg s14  }
0x2a: {  	s3 =	rddreg [dreg:$0x4]  }
0x2b: {  	s24 =	rddreg [dreg:$0x3];
	s23 =	sshrl.u32 s3, $0x3  }
0x2c: {  	[dreg:$0xe] =	wrdreg s23  }
0x2d: {  	[spmem:s23], [sflag:s10] =	dma.local [hbm:s24], $0x2780  }
0x2e: {  	_ =	swait.ge [sflag:s9], $0x2780  }
0x2f: {  	[sflag:s9] =	ssyncset.done $0x0  }
0x30: {  	[sflag:s9] =	ssyncadd.s32 $0xFFFFD880  }
0x31: {  	[bflag:$0x0] =	sbarrier.arrive $0xFFFF  }
0x32: {  	s14 =	simm.s32 $0x13C00;
	s10 =	rddreg [dreg:$0x6]  }
0x33: {  	[tilespmem:s14], [sflag:$0xD] =	stream.linear.gather [hbm4b:s10+s2], $0x50, $0x38;
	[tilespmem:$0x1E000] =	vst v63  }
0x34: {  	_ =	swait.ge [sflag:s9], $0x50  }
0x35: {  	[sflag:s9] =	ssyncset.done $0x0  }
0x36: {  	s15 =	rddreg [dreg:$0x7];
	[sflag:s9] =	ssyncadd.s32 $0xFFFFFFB0  }
0x37: {  	[tilespmem:s25], [sflag:$0xD] =	stream.linear.gather [hbm4b:s15+s2], $0x50, $0x38;
	[tilespmem:$0x1E000] =	vst v63  }
0x38: {  	_ =	swait.ge [sflag:s9], $0x50  }
0x39: {  	[sflag:s9] =	ssyncset.done $0x0  }
0x3a: {  	[sflag:s9] =	ssyncadd.s32 $0xFFFFFFB0  }
0x3b: {  	[tilespmem:s28], [sflag:$0x1] =	stream.indirect.gather [hbm4b:s4+s26], $0x80, s14, s26, $0xb8;
	[tilespmem:$0x1E000] =	vst v63  }
.Ltmp2:
0x3c: {  	s18 =	rddreg [dreg:$0x8];
	(pc) =	sbr.rel .LBB2_2-.Ltmp2, $4  }
0x3d: {  	s23 =	simm.s32 $0x13C80;
	s10 =	simm.s32 $0x0;
	s24 =	rddreg [dreg:$0x9]  }
0x3e: {  	[tilespmem:s23], [sflag:$0xA] =	stream.linear.gather [hbm4b:s18+s2], $0x50, $0x38;
	[tilespmem:$0x1E000] =	vst v63  }
0x3f: {  	s15 =	simm.s32 $0x0;
	s9 =	rddreg [dreg:$0xc];
	s18 =	simm.s32 $0x3  }
0x40: {  	[tilespmem:s30], [sflag:$0xA] =	stream.linear.gather [hbm4b:s24+s2], $0x50, $0x38;
	[tilespmem:$0x1E000] =	vst v63  }
.LBB2_6:
0x41: {  	_ =	swait.ge [sflag:s8], $0x50  }
0x42: {  	[sflag:s8] =	ssyncset.done $0x0  }
0x43: {  	[sflag:s8] =	ssyncadd.s32 $0xFFFFFFB0  }
0x44: {  	_ =	swait.ge [sflag:s8], $0x50  }
0x45: {  	[sflag:s8] =	ssyncset.done $0x0  }
0x46: {  	s3 =	simm.s32 $0x1B800;
	[sflag:s8] =	ssyncadd.s32 $0xFFFFFFB0  }
0x47: {  	[tilespmem:s3], [sflag:$0x4] =	stream.indirect.gather [hbm4b:s4+s26], $0x80, s0, s26, $0xb8;
	[tilespmem:$0x1E000] =	vst v63  }
.LBB2_8:
0x48: {  	s3 =	sshrl.u32 s9, $0x3  }
0x49: {  	s23 =	simm.s32 $0x13C00;
	s14 =	sadd.s32 s5, s3  }
0x4a: {  	[tilespmem:s23], [sflag:$0x9] =	stream.linear.gather [hbm4b:s14+s2], $0x50, $0x38;
	[tilespmem:$0x1E000] =	vst v63  }
0x4b: {  	s3 =	sadd.s32 s6, s3  }
0x4c: {  	[tilespmem:s25], [sflag:$0x9] =	stream.linear.gather [hbm4b:s3+s2], $0x50, $0x38;
	[tilespmem:$0x1E000] =	vst v63  }
.LBB2_9:
0x4d: {  	_ =	swait.ge [sflag:s11], $0x2800  }
0x4e: {  	[sflag:s11] =	ssyncset.done $0x0  }
0x4f: {  	[sflag:s11] =	ssyncadd.s32 $0xFFFFD800  }
0x50: {  	[spmem:s1] =	stream.indirect.scatter.add.f32 [tilespmem:s13], [sflag:$0x7], $0x80, s12, s26, $0xb8;
	[tilespmem:$0x1E000] =	vst v63  }
.LBB2_10:
0x51: {  	p1 =	sgt.u32 s18, $0x7E  }
0x52: {  	s3 =	simm.s32 @!p1 $0x6  }
0x53: {  	p2 =	sgt.u32 @!p1 s18, $0x7C;
	_ =	swait.ge @!p1 [sflag:s3], $0x2800  }
0x54: {  	p0 =	por p2, p1;
	[sflag:s3] =	ssyncset.done @!p1 $0x0  }
0x55: {  	[sflag:s3] =	ssyncadd.s32 @!p1 $0xFFFFD800;
	s3 =	simm.s32 @!p0 $0x9  }
0x56: {  	_ =	swait.ge @!p0 [sflag:s3], $0x50  }
0x57: {  	[sflag:s3] =	ssyncset.done @!p0 $0x0  }
0x58: {  	[sflag:s3] =	ssyncadd.s32 @!p0 $0xFFFFFFB0  }
0x59: {  	s14 =	simm.s32 @!p0 $0x13C00;
	p3 =	sgt.u32 @!p0 s10, $0x1D;
	_ =	swait.ge @!p0 [sflag:s3], $0x50  }
0x5a: {  	s23 =	simm.s32 @!p0 $0x14000;
	p2 =	por @!p1 p3, p2;
	[sflag:s3] =	ssyncset.done @!p0 $0x0  }
0x5b: {  	p1 =	por p2, p1;
	[sflag:s3] =	ssyncadd.s32 @!p0 $0xFFFFFFB0;
	s3 =	simm.s32 @!p0 $0x50  }
0x5c: {  	[tilespmem:s23], [sflag:$0x1] =	stream.indirect.gather @!p0 [hbm4b:s4+s3], $0x80, s14, s3, $0xb8;
	[tilespmem:$0x1E000] =	vst v63  }
0x5d: {  	s24 =	simm.s32 @!p1 $0x13C80;
	s14 =	sadd.s32 @!p1 s15, s17;
	s23 =	simm.s32 @!p1 $0x0  }
0x5e: {  	[tilespmem:s24], [sflag:$0xA] =	stream.linear.gather @!p1 [hbm4b:s14+s23], $0x50, $0x38;
	[tilespmem:$0x1E000] =	vst v63  }
0x5f: {  	s14 =	sadd.s32 @!p1 s15, s16;
	s24 =	simm.s32 @!p1 $0x13E80  }
0x60: {  	[tilespmem:s24], [sflag:$0xA] =	stream.linear.gather @!p1 [hbm4b:s14+s23], $0x50, $0x38;
	[tilespmem:$0x1E000] =	vst v63  }
0x61: {  	s14 =	simm.s32 @!p0 $0x4  }
0x62: {  	_ =	swait.ge @!p0 [sflag:s14], $0x2800  }
0x63: {  	s15 =	sadd.s32 $0x28, s15;
	[sflag:s14] =	ssyncset.done @!p0 $0x0  }
0x64: {  	s23 =	simm.s32 @!p0 $0x1B800;
	[sflag:s14] =	ssyncadd.s32 @!p0 $0xFFFFD800;
	s14 =	simm.s32 @!p0 $0x13F80  }
0x65: {  	[spmem:s1] =	stream.indirect.scatter.add.f32 @!p0 [tilespmem:s23], [sflag:$0x8], $0x80, s14, s3, $0xb8;
	[tilespmem:$0x1E000] =	vst v63  }
0x66: {  	p0 =	sne.s32 s15, $0x500  }
.Ltmp3:
0x67: {  	_ = 	snop;
	(pc) =	sbr.rel @!p0 .LBB2_11-.Ltmp3, $2  }
0x68: {  	_ =	sdelay $0x2  }
0x69: {  	s9 =	sadd.s32 $0x140, s9;
	s18 =	sadd.s32 $0x4, s18;
	s10 =	sadd.s32 $0x1, s10  }
.LBB2_2:
0x6a: {  	s23 =	sadd.s32 $0xFFFFFFFB, s18  }
0x6b: {  	p1 =	sgt.u32 s23, $0x7C  }
0x6c: {  	s23 =	simm.s32 @!p1 $0x7  }
0x6d: {  	_ =	swait.ge @!p1 [sflag:s23], $0x2800  }
0x6e: {  	p0 =	seq.s32 s15, $0x4D8;
	[sflag:s23] =	ssyncset.done @!p1 $0x0  }
0x6f: {  	[sflag:s23] =	ssyncadd.s32 @!p1 $0xFFFFD800;
	s23 =	simm.s32 @!p0 $0xA  }
0x70: {  	_ =	swait.ge @!p0 [sflag:s23], $0x50  }
0x71: {  	[sflag:s23] =	ssyncset.done @!p0 $0x0  }
0x72: {  	[sflag:s23] =	ssyncadd.s32 @!p0 $0xFFFFFFB0  }
0x73: {  	_ =	swait.ge @!p0 [sflag:s23], $0x50  }
0x74: {  	s24 =	simm.s32 @!p0 $0x13C80;
	[sflag:s23] =	ssyncset.done @!p0 $0x0  }
0x75: {  	s14 =	simm.s32 @!p0 $0x16800;
	[sflag:s23] =	ssyncadd.s32 @!p0 $0xFFFFFFB0;
	s23 =	simm.s32 @!p0 $0x50  }
0x76: {  	[tilespmem:s14], [sflag:$0x2] =	stream.indirect.gather @!p0 [hbm4b:s4+s23], $0x80, s24, s23, $0xb8;
	[tilespmem:$0x1E000] =	vst v63  }
0x77: {  	s23 =	sadd.s32 @!p0 $0xFFFFFFFF, s18  }
0x78: {  	p1 =	sgt.u32 @!p0 s23, $0x7C  }
0x79: {  	p2 =	por p1, p0  }
0x7a: {  	s14 =	sadd.s32 @!p2 s15, s22;
	s24 =	simm.s32 @!p2 $0x0;
	s3 =	simm.s32 @!p2 $0x13D00  }
0x7b: {  	[tilespmem:s3], [sflag:$0xB] =	stream.linear.gather @!p2 [hbm4b:s14+s24], $0x50, $0x38;
	[tilespmem:$0x1E000] =	vst v63  }
0x7c: {  	p4 =	seq.s32 s15, $0x0;
	s3 =	sadd.s32 @!p2 s15, s21;
	s14 =	simm.s32 @!p2 $0x13F00  }
0x7d: {  	[tilespmem:s14], [sflag:$0xB] =	stream.linear.gather @!p2 [hbm4b:s3+s24], $0x50, $0x38;
	[tilespmem:$0x1E000] =	vst v63  }
0x7e: {  	p3 =	por @!p0 $0x0, $0x0;
	p1 =	por !p1, p0;
	p2 =	por @!p2 $0x1, $0x1  }
0x7f: {  	_ =	swait.ge [sflag:s31], $0x2800;
	p2 =	por @!p1 p3, p3;
	p3 =	sgt.u32 @!p4 s10, $0x1E  }
0x80: {  	[sflag:s31] =	ssyncset.done $0x0;
	p3 =	por p4, !p3  }
.Ltmp4:
0x81: {  	s3 =	simm.s32 @!p4 $0x8;
	[sflag:s31] =	ssyncadd.s32 $0xFFFFD800;
	(pc) =	sbr.rel @!p3 .LBB2_4-.Ltmp4, $4  }
0x82: {  	[spmem:s1] =	stream.indirect.scatter.add.f32 [tilespmem:s28], [sflag:$0x5], $0x80, s25, s26, $0xb8;
	[tilespmem:$0x1E000] =	vst v63  }
0x83: {  	_ =	swait.ge @!p4 [sflag:s3], $0x2800  }
0x84: {  	p1 =	por $0x0, $0x0;
	[sflag:s3] =	ssyncset.done @!p4 $0x0  }
0x85: {  	p1 =	por @!p0 p2, p2;
	p2 =	por @!p4 $0x0, $0x0;
	[sflag:s3] =	ssyncadd.s32 @!p4 $0xFFFFD800  }
0x86: {  	s3 =	simm.s32 @p1 $0xB  }
0x87: {  	_ =	swait.ge @p1 [sflag:s3], $0x50  }
0x88: {  	[sflag:s3] =	ssyncset.done @p1 $0x0  }
0x89: {  	[sflag:s3] =	ssyncadd.s32 @p1 $0xFFFFFFB0  }
0x8a: {  	_ =	swait.ge @p1 [sflag:s3], $0x50  }
0x8b: {  	s14 =	simm.s32 @p1 $0x13D00;
	[sflag:s3] =	ssyncset.done @p1 $0x0  }
0x8c: {  	s24 =	simm.s32 @p1 $0x19000;
	[sflag:s3] =	ssyncadd.s32 @p1 $0xFFFFFFB0;
	s3 =	simm.s32 @p1 $0x50  }
0x8d: {  	[tilespmem:s24], [sflag:$0x3] =	stream.indirect.gather @p1 [hbm4b:s4+s3], $0x80, s14, s3, $0xb8;
	[tilespmem:$0x1E000] =	vst v63  }
0x8e: {  	s24 =	sadd.s32 s15, s20  }
0x8f: {  	[tilespmem:s0], [sflag:$0xC] =	stream.linear.gather [hbm4b:s24+s2], $0x50, $0x38;
	[tilespmem:$0x1E000] =	vst v63  }
0x90: {  	s14 =	sadd.s32 s15, s19;
	s24 =	simm.s32 $0x13F80  }
0x91: {  	[tilespmem:s24], [sflag:$0xC] =	stream.linear.gather [hbm4b:s14+s2], $0x50, $0x38;
	[tilespmem:$0x1E000] =	vst v63  }
0x92: {  	_ =	swait.ge [sflag:s29], $0x2800  }
0x93: {  	[sflag:s29] =	ssyncset.done $0x0  }
0x94: {  	p2 =	por $0x1, $0x1;
	[sflag:s29] =	ssyncadd.s32 $0xFFFFD800  }
0x95: {  	[spmem:s1] =	stream.indirect.scatter.add.f32 [tilespmem:s7], [sflag:$0x6], $0x80, s30, s26, $0xb8;
	[tilespmem:$0x1E000] =	vst v63  }
.LBB2_4:
0x96: {  	s23 =	simm.s32 @p0 $0x7E  }
.Ltmp5:
0x97: {  	p3 =	sgt.u32 s23, $0x7E;
	(pc) =	sbr.rel @!p1 .LBB2_10-.Ltmp5, $4  }
0x98: {  	s3 =	simm.s32 @!p3 $0x5  }
0x99: {  	_ =	swait.ge @!p3 [sflag:s3], $0x2800  }
0x9a: {  	[sflag:s3] =	ssyncset.done @!p3 $0x0  }
0x9b: {  	[sflag:s3] =	ssyncadd.s32 @!p3 $0xFFFFD800  }
.Ltmp6:
0x9c: {  	(pc) =	sbr.rel @p2 .LBB2_6-.Ltmp6, $1  }
0x9d: {  	_ =	sdelay $0x3  }
.Ltmp7:
0x9e: {  	(pc) =	sbr.rel @p0 .LBB2_9-.Ltmp7, $4  }
.Ltmp8:
0x9f: {  	(pc) =	sbr.rel @!p0 .LBB2_8-.Ltmp8, $4  }
0xa0: {  	_ = 	snop  }
0xa1: {  	_ = 	snop  }
0xa2: {  	_ = 	snop  }
0xa3: {  	_ = 	snop  }
.LBB2_12:
0xa4: {  	_ =	sfence.sel $0x180000  }
0xa5: {  	[bflag:$0x0] =	sbarrier.arrive $0xFFFF  }
0xa6: {  	_ =	strace $0x9000004A  }
0xa7: {  	s0 =	stileid.u32;
	[bflag:$0x2] =	sbarrier.arrive $0xFFFF  }
0xa8: {  	p0 =	sne.s32 s0, $0x0;
	s0 =	rddreg [dreg:$0x2]  }
0xa9: {  	s0 =	sadd.s32 @!p0 $0x100000, s0  }
0xaa: {  	[sflag:s0] =	ssyncadd.tile.s32 @!p0 $0x1;
	_ =	shalt  }
.Lfunc_end2:
_tile_overlayer_lowered:
.L_overlay_start_2:
0xab: {  	(tag) =	ssettag $0x2  }
0xac: {  	s0 =	rddreg [dreg:$0x0];
	s2 =	stileid.u32  }
0xad: {  	s1 =	rddreg [dreg:$0x1];
	p0 =	sne.s32 s2, $0x0  }
0xae: {  	s3 =	rddreg [dreg:$0x2];
	[bflag:$0x3] =	sbarrier.arrive $0xFFFF;
	s2 =	simm.s32 @!p0 $0x1C0D  }
0xaf: {  	[timem:s3], [sflag:s2] =	dma.local @!p0 [hbm:s0], s1  }
0xb0: {  	s0 =	simm.s32 @!p0 $0xD  }
0xb1: {  	_ =	swait.ge @!p0 [sflag:s0], s1  }
0xb2: {  	s1 =	ssub.s32 @!p0 $0x0, s1;
	[sflag:s0] =	ssyncset.done @!p0 $0x0  }
0xb3: {  	[sflag:s0] =	ssyncadd.s32 @!p0 s1  }
0xb4: {  	[bflag:$0x3] =	sbarrier.arrive $0xFFFF  }
0xb5: {  	_ =	shalt  }

</sc_bundles>
